<compile_context>
chip_gen: v7x
topology: tpu7x:2x2x1
jax: 0.10.2.dev20260603
libtpu: 0.0.44.dev20260713+nightly
codegen_flags: <defaults>
</compile_context>

<pallas_src>
import functools

import jax
import jax.numpy as jnp
import numpy as np
from jax import lax
from jax.experimental import pallas as pl
from jax.experimental.pallas import tpu as pltpu
from jax.experimental.pallas import tpu_sc as plsc

D_MODEL = 64
SEQ = 50
NC, NS = 2, 16
NW = NC * NS
GATHER = 100
CHUNK = 200
RING = 4
OBUF = 2
LANES = 16
REPS = CHUNK // SEQ


def _pos_encoding(max_len, d_model):
    position = jnp.arange(max_len, dtype=jnp.float32)[:, None]
    div_term = jnp.exp(
        jnp.arange(0, d_model, 2, dtype=jnp.float32) * (-np.log(10000.0) / d_model)
    )
    pe = jnp.zeros((max_len, d_model), dtype=jnp.float32)
    pe = pe.at[:, 0::2].set(jnp.sin(position * div_term))
    pe = pe.at[:, 1::2].set(jnp.cos(position * div_term))
    return pe


@functools.partial(jax.jit, static_argnames=("batch", "seq"))
def _embed(idx3, pe, table, batch, seq):
    b_total = batch * seq
    bpw = b_total // NW
    nchunks = bpw // CHUNK
    ng = nchunks // RING

    mesh = plsc.VectorSubcoreMesh(
        core_axis_name="c", subcore_axis_name="s", num_cores=NC, num_subcores=NS
    )

    @functools.partial(
        pl.kernel,
        out_type=jax.ShapeDtypeStruct((b_total, D_MODEL), jnp.float32),
        mesh=mesh,
        compiler_params=pltpu.CompilerParams(use_tc_tiling_on_sc=False),
        scratch_types=[
            pltpu.VMEM((2 * nchunks, GATHER), jnp.int32),
            pltpu.VMEM((SEQ, D_MODEL), jnp.float32),
        ]
        + [pltpu.VMEM((CHUNK, D_MODEL), jnp.float32) for _ in range(RING)]
        + [pltpu.VMEM((CHUNK, D_MODEL), jnp.float32) for _ in range(OBUF)]
        + [pltpu.SemaphoreType.DMA for _ in range(RING + OBUF)],
    )
    def body(
        idx_hbm, pe_hbm, table_hbm, out_hbm, idx_v, pe_v,
        g0, g1, g2, g3, o0, o1, gs0, gs1, gs2, gs3, os0, os1,
    ):
        gbuf = [g0, g1, g2, g3]
        obuf = [o0, o1]
        gsem = [gs0, gs1, gs2, gs3]
        osem = [os0, os1]
        wid = lax.axis_index("s") * NC + lax.axis_index("c")
        pltpu.sync_copy(idx_hbm.at[wid], idx_v)
        pltpu.sync_copy(pe_hbm, pe_v)
        base = wid * bpw

        def start_gather(c, b):
            pltpu.async_copy(
                table_hbm.at[idx_v.at[2 * c]], gbuf[b].at[pl.ds(0, GATHER)], gsem[b]
            )
            pltpu.async_copy(
                table_hbm.at[idx_v.at[2 * c + 1]],
                gbuf[b].at[pl.ds(GATHER, GATHER)],
                gsem[b],
            )

        def wait_gather(b):
            pltpu.make_async_copy(
                table_hbm.at[pl.ds(0, CHUNK)], gbuf[b], gsem[b]
            ).wait()

        def wait_store(ob):
            pltpu.make_async_copy(
                obuf[ob], out_hbm.at[pl.ds(base, CHUNK)], osem[ob]
            ).wait()

        for b in range(RING):
            start_gather(b, b)

        def g_body(g, _):
            for b in range(RING):
                c = RING * g + b
                ob = b % OBUF
                wait_gather(b)

                def l_body(l, _):
                    for j in range(D_MODEL // LANES):
                        sl = pl.ds(j * LANES, LANES)
                        pe_vec = pe_v[l, sl]
                        for rep in range(REPS):
                            r = l + rep * SEQ
                            obuf[ob][r, sl] = gbuf[b][r, sl] + pe_vec
                    return 0

                lax.fori_loop(0, SEQ, l_body, 0)

                @pl.when(g < ng - 1)
                def _():
                    start_gather(c + RING, b)

                if b >= OBUF:
                    wait_store(ob)
                else:

                    @pl.when(g > 0)
                    def _():
                        wait_store(ob)

                pltpu.async_copy(
                    obuf[ob], out_hbm.at[pl.ds(base + c * CHUNK, CHUNK)], osem[ob]
                )
            return 0

        lax.fori_loop(0, ng, g_body, 0)
        wait_store(0)
        wait_store(1)

    return body(idx3, pe, table)


def kernel(x, W):
    batch, seq = x.shape
    pe = _pos_encoding(seq, D_MODEL)
    idx3 = x.reshape(NW, -1, GATHER)
    out = _embed(idx3, pe, W, batch, seq)
    return out.reshape(batch, seq, D_MODEL)

# --- scband reference (transcript-rebuilt; emitter-appended) ---
"""Pipeline reference for scband-transformer-embeddings-70179765617212 (READ-ONLY COPY).

The authoritative reference and input builder live on the scoring server;
editing this copy changes nothing except your own understanding.
"""

import jax, jax.numpy as jnp
import numpy as np

VOCAB = 1000000
D_MODEL = 64
MAX_LEN = 200
BATCH = 4096
SEQ = 50


def _pos_encoding(max_len, d_model):
    position = jnp.arange(max_len, dtype=jnp.float32)[:, None]
    div_term = jnp.exp(jnp.arange(0, d_model, 2, dtype=jnp.float32) * (-np.log(10000.0) / d_model))
    pe = jnp.zeros((max_len, d_model), dtype=jnp.float32)
    pe = pe.at[:, 0::2].set(jnp.sin(position * div_term))
    pe = pe.at[:, 1::2].set(jnp.cos(position * div_term))
    return pe


def setup_inputs(seed: int = 0) -> dict:
    key = jax.random.key(seed)
    k1, k2 = jax.random.split(key)
    x = jax.random.randint(k1, (BATCH, SEQ), 0, VOCAB, dtype=jnp.int32)
    W = jax.random.normal(k2, (VOCAB, D_MODEL), dtype=jnp.float32)
    return {"x": x, "W": W}


def reference(x, W):
    # embedding lookup: table[idx]
    emb = jnp.take(W, x, axis=0)  # [B, L, D]
    # positional encoding sliced to seq len, broadcast over batch
    pe = _pos_encoding(MAX_LEN, D_MODEL)[: x.shape[1], :]  # [L, D]
    return emb + pe[None, :, :]

if __name__ == "__main__":
    import jax
    _d = setup_inputs()
    print(jax.jit(kernel)(*tuple(_d.values())))

</pallas_src>

<mosaic_0001>
#map = affine_map<(d0, d1) -> (0, 0, 0)>
#map1 = affine_map<(d0, d1) -> (0, 0)>
module attributes {stable_mosaic.version = 14 : i64} {
  func.func @body(%arg0: i32, %arg1: i32, %arg2: memref<32x64x100xi32, #tpu.memory_space<hbm>>, %arg3: memref<50x64xf32, #tpu.memory_space<hbm>>, %arg4: memref<1000000x64xf32, #tpu.memory_space<hbm>>, %arg5: memref<204800x64xf32, #tpu.memory_space<hbm>>, %arg6: memref<64x100xi32, #tpu.memory_space<vmem>>, %arg7: memref<50x64xf32, #tpu.memory_space<vmem>>, %arg8: memref<200x64xf32, #tpu.memory_space<vmem>>, %arg9: memref<200x64xf32, #tpu.memory_space<vmem>>, %arg10: memref<200x64xf32, #tpu.memory_space<vmem>>, %arg11: memref<200x64xf32, #tpu.memory_space<vmem>>, %arg12: memref<200x64xf32, #tpu.memory_space<vmem>>, %arg13: memref<200x64xf32, #tpu.memory_space<vmem>>, %arg14: memref<!tpu.dma_semaphore, #tpu.memory_space<semaphore_mem>>, %arg15: memref<!tpu.dma_semaphore, #tpu.memory_space<semaphore_mem>>, %arg16: memref<!tpu.dma_semaphore, #tpu.memory_space<semaphore_mem>>, %arg17: memref<!tpu.dma_semaphore, #tpu.memory_space<semaphore_mem>>, %arg18: memref<!tpu.dma_semaphore, #tpu.memory_space<semaphore_mem>>, %arg19: memref<!tpu.dma_semaphore, #tpu.memory_space<semaphore_mem>>) attributes {dimension_semantics = [#tpu.dimension_semantics<core_parallel>, #tpu.dimension_semantics<subcore_parallel>], iteration_bounds = array<i64: 2, 16>, scalar_prefetch = 0 : i64, scratch_operands = 14 : i64, tpu.core_type = #tpu.core_type<sc_vector_subcore>, window_params = [{transform_indices = #map}, {transform_indices = #map1}, {transform_indices = #map1}, {transform_indices = #map1}]} {
    %mul3A = arith.constant 2 : i32
    %mul3A_0 = arith.muli %arg1, %mul3A : i32
    %add3A = arith.addi %mul3A_0, %arg0 : i32
    "tpu.region"() ({
      %run_scoped3A = tpu.sem_alloc : memref<!tpu.dma_semaphore, #tpu.memory_space<semaphore_mem>>
      %dma_start3A_95 = arith.constant 0 : i32
      %dma_start3A_96 = arith.constant 0 : i32
      %dma_start3A_97 = tpu.memref_slice %arg2[%add3A, %dma_start3A_95, %dma_start3A_96] : memref<32x64x100xi32, #tpu.memory_space<hbm>> -> memref<1x64x100xi32, #tpu.memory_space<hbm>>
      %dma_start3A_98 = tpu.memref_squeeze %dma_start3A_97 : memref<1x64x100xi32, #tpu.memory_space<hbm>> -> memref<64x100xi32, #tpu.memory_space<hbm>>
      %dma_start3A_99 = arith.constant 0 : i32
      %dma_start3A_100 = arith.constant 0 : i32
      %dma_start3A_101 = tpu.memref_slice %arg2[%add3A, %dma_start3A_99, %dma_start3A_100] : memref<32x64x100xi32, #tpu.memory_space<hbm>> -> memref<1x64x100xi32, #tpu.memory_space<hbm>>
      %dma_start3A_102 = tpu.memref_squeeze %dma_start3A_101 : memref<1x64x100xi32, #tpu.memory_space<hbm>> -> memref<64x100xi32, #tpu.memory_space<hbm>>
      tpu.enqueue_dma source(%dma_start3A_102 : memref<64x100xi32, #tpu.memory_space<hbm>>) target(%arg6 : memref<64x100xi32, #tpu.memory_space<vmem>>) target_semaphore(%run_scoped3A : memref<!tpu.dma_semaphore, #tpu.memory_space<semaphore_mem>>)
      %dma_wait3A_103 = arith.constant 0 : i32
      %dma_wait3A_104 = arith.constant 0 : i32
      %dma_wait3A_105 = tpu.memref_slice %arg2[%add3A, %dma_wait3A_103, %dma_wait3A_104] : memref<32x64x100xi32, #tpu.memory_space<hbm>> -> memref<1x64x100xi32, #tpu.memory_space<hbm>>
      %dma_wait3A_106 = tpu.memref_squeeze %dma_wait3A_105 : memref<1x64x100xi32, #tpu.memory_space<hbm>> -> memref<64x100xi32, #tpu.memory_space<hbm>>
      %dma_wait3A_107 = arith.constant 0 : i32
      %dma_wait3A_108 = arith.constant 0 : i32
      %dma_wait3A_109 = tpu.memref_slice %arg2[%add3A, %dma_wait3A_107, %dma_wait3A_108] : memref<32x64x100xi32, #tpu.memory_space<hbm>> -> memref<1x64x100xi32, #tpu.memory_space<hbm>>
      %dma_wait3A_110 = tpu.memref_squeeze %dma_wait3A_109 : memref<1x64x100xi32, #tpu.memory_space<hbm>> -> memref<64x100xi32, #tpu.memory_space<hbm>>
      tpu.wait_dma2 semaphore(%run_scoped3A : memref<!tpu.dma_semaphore, #tpu.memory_space<semaphore_mem>>) src(%dma_wait3A_110 : memref<64x100xi32, #tpu.memory_space<hbm>>) dst(%arg6 : memref<64x100xi32, #tpu.memory_space<vmem>>)
      tpu.yield
    }) : () -> ()
    "tpu.region"() ({
      %run_scoped3A = tpu.sem_alloc : memref<!tpu.dma_semaphore, #tpu.memory_space<semaphore_mem>>
      tpu.enqueue_dma source(%arg3 : memref<50x64xf32, #tpu.memory_space<hbm>>) target(%arg7 : memref<50x64xf32, #tpu.memory_space<vmem>>) target_semaphore(%run_scoped3A : memref<!tpu.dma_semaphore, #tpu.memory_space<semaphore_mem>>)
      tpu.wait_dma2 semaphore(%run_scoped3A : memref<!tpu.dma_semaphore, #tpu.memory_space<semaphore_mem>>) src(%arg3 : memref<50x64xf32, #tpu.memory_space<hbm>>) dst(%arg7 : memref<50x64xf32, #tpu.memory_space<vmem>>)
      tpu.yield
    }) : () -> ()
    %mul3A_1 = arith.constant 6400 : i32
    %mul3A_2 = arith.muli %add3A, %mul3A_1 : i32
    %dma_start3A = arith.constant 0 : i32
    %dma_start3A_3 = arith.constant 0 : i32
    %dma_start3A_4 = arith.constant 0 : i32
    %dma_start3A_5 = tpu.memref_slice %arg8[%dma_start3A_3, %dma_start3A_4] : memref<200x64xf32, #tpu.memory_space<vmem>> -> memref<100x64xf32, #tpu.memory_space<vmem>>
    %dma_start3A_6 = arith.constant 0 : i32
    %dma_start3A_7 = tpu.memref_slice %arg6[%dma_start3A, %dma_start3A_6] : memref<64x100xi32, #tpu.memory_space<vmem>> -> memref<1x100xi32, #tpu.memory_space<vmem>>
    %dma_start3A_8 = tpu.memref_squeeze %dma_start3A_7 : memref<1x100xi32, #tpu.memory_space<vmem>> -> memref<100xi32, #tpu.memory_space<vmem>>
    %dma_start3A_9 = arith.constant 0 : i32
    %dma_start3A_10 = arith.constant 0 : i32
    %dma_start3A_11 = tpu.memref_slice %arg4[%dma_start3A_9, %dma_start3A_10] : memref<1000000x64xf32, #tpu.memory_space<hbm>> -> memref<1000000x64xf32, #tpu.memory_space<hbm>>
    tpu.enqueue_indirect_dma source(%dma_start3A_11 : memref<1000000x64xf32, #tpu.memory_space<hbm>>) target(%dma_start3A_5 : memref<100x64xf32, #tpu.memory_space<vmem>>) offsets(%dma_start3A_8 : memref<100xi32, #tpu.memory_space<vmem>>) semaphore(%arg14 : memref<!tpu.dma_semaphore, #tpu.memory_space<semaphore_mem>>)
    %dma_start3A_12 = arith.constant 1 : i32
    %dma_start3A_13 = arith.constant 100 : i32
    %dma_start3A_14 = arith.constant 0 : i32
    %dma_start3A_15 = tpu.memref_slice %arg8[%dma_start3A_13, %dma_start3A_14] : memref<200x64xf32, #tpu.memory_space<vmem>> -> memref<100x64xf32, #tpu.memory_space<vmem>>
    %dma_start3A_16 = arith.constant 0 : i32
    %dma_start3A_17 = tpu.memref_slice %arg6[%dma_start3A_12, %dma_start3A_16] : memref<64x100xi32, #tpu.memory_space<vmem>> -> memref<1x100xi32, #tpu.memory_space<vmem>>
    %dma_start3A_18 = tpu.memref_squeeze %dma_start3A_17 : memref<1x100xi32, #tpu.memory_space<vmem>> -> memref<100xi32, #tpu.memory_space<vmem>>
    %dma_start3A_19 = arith.constant 0 : i32
    %dma_start3A_20 = arith.constant 0 : i32
    %dma_start3A_21 = tpu.memref_slice %arg4[%dma_start3A_19, %dma_start3A_20] : memref<1000000x64xf32, #tpu.memory_space<hbm>> -> memref<1000000x64xf32, #tpu.memory_space<hbm>>
    tpu.enqueue_indirect_dma source(%dma_start3A_21 : memref<1000000x64xf32, #tpu.memory_space<hbm>>) target(%dma_start3A_15 : memref<100x64xf32, #tpu.memory_space<vmem>>) offsets(%dma_start3A_18 : memref<100xi32, #tpu.memory_space<vmem>>) semaphore(%arg14 : memref<!tpu.dma_semaphore, #tpu.memory_space<semaphore_mem>>)
    %dma_start3A_22 = arith.constant 2 : i32
    %dma_start3A_23 = arith.constant 0 : i32
    %dma_start3A_24 = arith.constant 0 : i32
    %dma_start3A_25 = tpu.memref_slice %arg9[%dma_start3A_23, %dma_start3A_24] : memref<200x64xf32, #tpu.memory_space<vmem>> -> memref<100x64xf32, #tpu.memory_space<vmem>>
    %dma_start3A_26 = arith.constant 0 : i32
    %dma_start3A_27 = tpu.memref_slice %arg6[%dma_start3A_22, %dma_start3A_26] : memref<64x100xi32, #tpu.memory_space<vmem>> -> memref<1x100xi32, #tpu.memory_space<vmem>>
    %dma_start3A_28 = tpu.memref_squeeze %dma_start3A_27 : memref<1x100xi32, #tpu.memory_space<vmem>> -> memref<100xi32, #tpu.memory_space<vmem>>
    %dma_start3A_29 = arith.constant 0 : i32
    %dma_start3A_30 = arith.constant 0 : i32
    %dma_start3A_31 = tpu.memref_slice %arg4[%dma_start3A_29, %dma_start3A_30] : memref<1000000x64xf32, #tpu.memory_space<hbm>> -> memref<1000000x64xf32, #tpu.memory_space<hbm>>
    tpu.enqueue_indirect_dma source(%dma_start3A_31 : memref<1000000x64xf32, #tpu.memory_space<hbm>>) target(%dma_start3A_25 : memref<100x64xf32, #tpu.memory_space<vmem>>) offsets(%dma_start3A_28 : memref<100xi32, #tpu.memory_space<vmem>>) semaphore(%arg15 : memref<!tpu.dma_semaphore, #tpu.memory_space<semaphore_mem>>)
    %dma_start3A_32 = arith.constant 3 : i32
    %dma_start3A_33 = arith.constant 100 : i32
    %dma_start3A_34 = arith.constant 0 : i32
    %dma_start3A_35 = tpu.memref_slice %arg9[%dma_start3A_33, %dma_start3A_34] : memref<200x64xf32, #tpu.memory_space<vmem>> -> memref<100x64xf32, #tpu.memory_space<vmem>>
    %dma_start3A_36 = arith.constant 0 : i32
    %dma_start3A_37 = tpu.memref_slice %arg6[%dma_start3A_32, %dma_start3A_36] : memref<64x100xi32, #tpu.memory_space<vmem>> -> memref<1x100xi32, #tpu.memory_space<vmem>>
    %dma_start3A_38 = tpu.memref_squeeze %dma_start3A_37 : memref<1x100xi32, #tpu.memory_space<vmem>> -> memref<100xi32, #tpu.memory_space<vmem>>
    %dma_start3A_39 = arith.constant 0 : i32
    %dma_start3A_40 = arith.constant 0 : i32
    %dma_start3A_41 = tpu.memref_slice %arg4[%dma_start3A_39, %dma_start3A_40] : memref<1000000x64xf32, #tpu.memory_space<hbm>> -> memref<1000000x64xf32, #tpu.memory_space<hbm>>
    tpu.enqueue_indirect_dma source(%dma_start3A_41 : memref<1000000x64xf32, #tpu.memory_space<hbm>>) target(%dma_start3A_35 : memref<100x64xf32, #tpu.memory_space<vmem>>) offsets(%dma_start3A_38 : memref<100xi32, #tpu.memory_space<vmem>>) semaphore(%arg15 : memref<!tpu.dma_semaphore, #tpu.memory_space<semaphore_mem>>)
    %dma_start3A_42 = arith.constant 4 : i32
    %dma_start3A_43 = arith.constant 0 : i32
    %dma_start3A_44 = arith.constant 0 : i32
    %dma_start3A_45 = tpu.memref_slice %arg10[%dma_start3A_43, %dma_start3A_44] : memref<200x64xf32, #tpu.memory_space<vmem>> -> memref<100x64xf32, #tpu.memory_space<vmem>>
    %dma_start3A_46 = arith.constant 0 : i32
    %dma_start3A_47 = tpu.memref_slice %arg6[%dma_start3A_42, %dma_start3A_46] : memref<64x100xi32, #tpu.memory_space<vmem>> -> memref<1x100xi32, #tpu.memory_space<vmem>>
    %dma_start3A_48 = tpu.memref_squeeze %dma_start3A_47 : memref<1x100xi32, #tpu.memory_space<vmem>> -> memref<100xi32, #tpu.memory_space<vmem>>
    %dma_start3A_49 = arith.constant 0 : i32
    %dma_start3A_50 = arith.constant 0 : i32
    %dma_start3A_51 = tpu.memref_slice %arg4[%dma_start3A_49, %dma_start3A_50] : memref<1000000x64xf32, #tpu.memory_space<hbm>> -> memref<1000000x64xf32, #tpu.memory_space<hbm>>
    tpu.enqueue_indirect_dma source(%dma_start3A_51 : memref<1000000x64xf32, #tpu.memory_space<hbm>>) target(%dma_start3A_45 : memref<100x64xf32, #tpu.memory_space<vmem>>) offsets(%dma_start3A_48 : memref<100xi32, #tpu.memory_space<vmem>>) semaphore(%arg16 : memref<!tpu.dma_semaphore, #tpu.memory_space<semaphore_mem>>)
    %dma_start3A_52 = arith.constant 5 : i32
    %dma_start3A_53 = arith.constant 100 : i32
    %dma_start3A_54 = arith.constant 0 : i32
    %dma_start3A_55 = tpu.memref_slice %arg10[%dma_start3A_53, %dma_start3A_54] : memref<200x64xf32, #tpu.memory_space<vmem>> -> memref<100x64xf32, #tpu.memory_space<vmem>>
    %dma_start3A_56 = arith.constant 0 : i32
    %dma_start3A_57 = tpu.memref_slice %arg6[%dma_start3A_52, %dma_start3A_56] : memref<64x100xi32, #tpu.memory_space<vmem>> -> memref<1x100xi32, #tpu.memory_space<vmem>>
    %dma_start3A_58 = tpu.memref_squeeze %dma_start3A_57 : memref<1x100xi32, #tpu.memory_space<vmem>> -> memref<100xi32, #tpu.memory_space<vmem>>
    %dma_start3A_59 = arith.constant 0 : i32
    %dma_start3A_60 = arith.constant 0 : i32
    %dma_start3A_61 = tpu.memref_slice %arg4[%dma_start3A_59, %dma_start3A_60] : memref<1000000x64xf32, #tpu.memory_space<hbm>> -> memref<1000000x64xf32, #tpu.memory_space<hbm>>
    tpu.enqueue_indirect_dma source(%dma_start3A_61 : memref<1000000x64xf32, #tpu.memory_space<hbm>>) target(%dma_start3A_55 : memref<100x64xf32, #tpu.memory_space<vmem>>) offsets(%dma_start3A_58 : memref<100xi32, #tpu.memory_space<vmem>>) semaphore(%arg16 : memref<!tpu.dma_semaphore, #tpu.memory_space<semaphore_mem>>)
    %dma_start3A_62 = arith.constant 6 : i32
    %dma_start3A_63 = arith.constant 0 : i32
    %dma_start3A_64 = arith.constant 0 : i32
    %dma_start3A_65 = tpu.memref_slice %arg11[%dma_start3A_63, %dma_start3A_64] : memref<200x64xf32, #tpu.memory_space<vmem>> -> memref<100x64xf32, #tpu.memory_space<vmem>>
    %dma_start3A_66 = arith.constant 0 : i32
    %dma_start3A_67 = tpu.memref_slice %arg6[%dma_start3A_62, %dma_start3A_66] : memref<64x100xi32, #tpu.memory_space<vmem>> -> memref<1x100xi32, #tpu.memory_space<vmem>>
    %dma_start3A_68 = tpu.memref_squeeze %dma_start3A_67 : memref<1x100xi32, #tpu.memory_space<vmem>> -> memref<100xi32, #tpu.memory_space<vmem>>
    %dma_start3A_69 = arith.constant 0 : i32
    %dma_start3A_70 = arith.constant 0 : i32
    %dma_start3A_71 = tpu.memref_slice %arg4[%dma_start3A_69, %dma_start3A_70] : memref<1000000x64xf32, #tpu.memory_space<hbm>> -> memref<1000000x64xf32, #tpu.memory_space<hbm>>
    tpu.enqueue_indirect_dma source(%dma_start3A_71 : memref<1000000x64xf32, #tpu.memory_space<hbm>>) target(%dma_start3A_65 : memref<100x64xf32, #tpu.memory_space<vmem>>) offsets(%dma_start3A_68 : memref<100xi32, #tpu.memory_space<vmem>>) semaphore(%arg17 : memref<!tpu.dma_semaphore, #tpu.memory_space<semaphore_mem>>)
    %dma_start3A_72 = arith.constant 7 : i32
    %dma_start3A_73 = arith.constant 100 : i32
    %dma_start3A_74 = arith.constant 0 : i32
    %dma_start3A_75 = tpu.memref_slice %arg11[%dma_start3A_73, %dma_start3A_74] : memref<200x64xf32, #tpu.memory_space<vmem>> -> memref<100x64xf32, #tpu.memory_space<vmem>>
    %dma_start3A_76 = arith.constant 0 : i32
    %dma_start3A_77 = tpu.memref_slice %arg6[%dma_start3A_72, %dma_start3A_76] : memref<64x100xi32, #tpu.memory_space<vmem>> -> memref<1x100xi32, #tpu.memory_space<vmem>>
    %dma_start3A_78 = tpu.memref_squeeze %dma_start3A_77 : memref<1x100xi32, #tpu.memory_space<vmem>> -> memref<100xi32, #tpu.memory_space<vmem>>
    %dma_start3A_79 = arith.constant 0 : i32
    %dma_start3A_80 = arith.constant 0 : i32
    %dma_start3A_81 = tpu.memref_slice %arg4[%dma_start3A_79, %dma_start3A_80] : memref<1000000x64xf32, #tpu.memory_space<hbm>> -> memref<1000000x64xf32, #tpu.memory_space<hbm>>
    tpu.enqueue_indirect_dma source(%dma_start3A_81 : memref<1000000x64xf32, #tpu.memory_space<hbm>>) target(%dma_start3A_75 : memref<100x64xf32, #tpu.memory_space<vmem>>) offsets(%dma_start3A_78 : memref<100xi32, #tpu.memory_space<vmem>>) semaphore(%arg17 : memref<!tpu.dma_semaphore, #tpu.memory_space<semaphore_mem>>)
    %scan3A = arith.constant 0 : i32
    %scan3A_82 = arith.constant 0 : i32
    %scan3A_83 = arith.constant 8 : i32
    %scan3A_84 = arith.addi %scan3A_82, %scan3A_83 : i32
    %scan3A_85 = arith.constant 1 : i32
    %scan3A_86 = scf.for %scan3A_95 = %scan3A_82 to %scan3A_84 step %scan3A_85 iter_args(%scan3A_96 = %scan3A) -> (i32)  : i32 {
      %mul3A_97 = arith.constant 4 : i32
      %mul3A_98 = arith.muli %mul3A_97, %scan3A_95 : i32
      %add3A_99 = arith.constant 0 : i32
      %add3A_100 = arith.addi %mul3A_98, %add3A_99 : i32
      %dma_wait3A_101 = arith.constant 0 : i32
      %dma_wait3A_102 = arith.constant 0 : i32
      %dma_wait3A_103 = tpu.memref_slice %arg4[%dma_wait3A_101, %dma_wait3A_102] : memref<1000000x64xf32, #tpu.memory_space<hbm>> -> memref<200x64xf32, #tpu.memory_space<hbm>>
      %dma_wait3A_104 = arith.constant 0 : i32
      %dma_wait3A_105 = arith.constant 0 : i32
      %dma_wait3A_106 = tpu.memref_slice %arg4[%dma_wait3A_104, %dma_wait3A_105] : memref<1000000x64xf32, #tpu.memory_space<hbm>> -> memref<200x64xf32, #tpu.memory_space<hbm>>
      tpu.wait_dma2 semaphore(%arg14 : memref<!tpu.dma_semaphore, #tpu.memory_space<semaphore_mem>>) src(%dma_wait3A_106 : memref<200x64xf32, #tpu.memory_space<hbm>>) dst(%arg8 : memref<200x64xf32, #tpu.memory_space<vmem>>)
      %scan3A_107 = arith.constant 0 : i32
      %scan3A_108 = arith.constant 0 : i32
      %scan3A_109 = arith.constant 50 : i32
      %scan3A_110 = arith.addi %scan3A_108, %scan3A_109 : i32
      %scan3A_111 = arith.constant 1 : i32
      %scan3A_112 = scf.for %scan3A_228 = %scan3A_108 to %scan3A_110 step %scan3A_111 iter_args(%scan3A_229 = %scan3A_107) -> (i32)  : i32 {
        %get3A = arith.index_cast %scan3A_228 : i32 to index
        %get3A_230 = arith.constant 0 : index
        %get3A_231 = tpu.vector_load %arg7[%get3A, %get3A_230] {strides = array<i32>} : memref<50x64xf32, #tpu.memory_space<vmem>>, vector<1x16xf32>,
        %get3A_232 = vector.shape_cast %get3A_231 : vector<1x16xf32> to vector<16xf32>
        %add3A_233 = arith.constant 0 : i32
        %add3A_234 = arith.addi %scan3A_228, %add3A_233 : i32
        %get3A_235 = arith.index_cast %add3A_234 : i32 to index
        %get3A_236 = arith.constant 0 : index
        %get3A_237 = tpu.vector_load %arg8[%get3A_235, %get3A_236] {strides = array<i32>} : memref<200x64xf32, #tpu.memory_space<vmem>>, vector<1x16xf32>,
        %get3A_238 = vector.shape_cast %get3A_237 : vector<1x16xf32> to vector<16xf32>
        %add3A_239 = arith.addf %get3A_238, %get3A_232 : vector<16xf32>
        %swap3A = arith.index_cast %add3A_234 : i32 to index
        %swap3A_240 = arith.constant 0 : index
        %swap3A_241 = tpu.vector_load %arg12[%swap3A, %swap3A_240] {strides = array<i32>} : memref<200x64xf32, #tpu.memory_space<vmem>>, vector<1x16xf32>,
        %swap3A_242 = vector.shape_cast %swap3A_241 : vector<1x16xf32> to vector<16xf32>
        %swap3A_243 = vector.shape_cast %add3A_239 : vector<16xf32> to vector<1x16xf32>
        tpu.vector_store %arg12[%swap3A, %swap3A_240], %swap3A_243 {strides = array<i32>} : memref<200x64xf32, #tpu.memory_space<vmem>>, vector<1x16xf32>,
        %add3A_244 = arith.constant 50 : i32
        %add3A_245 = arith.addi %scan3A_228, %add3A_244 : i32
        %get3A_246 = arith.index_cast %add3A_245 : i32 to index
        %get3A_247 = arith.constant 0 : index
        %get3A_248 = tpu.vector_load %arg8[%get3A_246, %get3A_247] {strides = array<i32>} : memref<200x64xf32, #tpu.memory_space<vmem>>, vector<1x16xf32>,
        %get3A_249 = vector.shape_cast %get3A_248 : vector<1x16xf32> to vector<16xf32>
        %add3A_250 = arith.addf %get3A_249, %get3A_232 : vector<16xf32>
        %swap3A_251 = arith.index_cast %add3A_245 : i32 to index
        %swap3A_252 = arith.constant 0 : index
        %swap3A_253 = tpu.vector_load %arg12[%swap3A_251, %swap3A_252] {strides = array<i32>} : memref<200x64xf32, #tpu.memory_space<vmem>>, vector<1x16xf32>,
        %swap3A_254 = vector.shape_cast %swap3A_253 : vector<1x16xf32> to vector<16xf32>
        %swap3A_255 = vector.shape_cast %add3A_250 : vector<16xf32> to vector<1x16xf32>
        tpu.vector_store %arg12[%swap3A_251, %swap3A_252], %swap3A_255 {strides = array<i32>} : memref<200x64xf32, #tpu.memory_space<vmem>>, vector<1x16xf32>,
        %add3A_256 = arith.constant 100 : i32
        %add3A_257 = arith.addi %scan3A_228, %add3A_256 : i32
        %get3A_258 = arith.index_cast %add3A_257 : i32 to index
        %get3A_259 = arith.constant 0 : index
        %get3A_260 = tpu.vector_load %arg8[%get3A_258, %get3A_259] {strides = array<i32>} : memref<200x64xf32, #tpu.memory_space<vmem>>, vector<1x16xf32>,
        %get3A_261 = vector.shape_cast %get3A_260 : vector<1x16xf32> to vector<16xf32>
        %add3A_262 = arith.addf %get3A_261, %get3A_232 : vector<16xf32>
        %swap3A_263 = arith.index_cast %add3A_257 : i32 to index
        %swap3A_264 = arith.constant 0 : index
        %swap3A_265 = tpu.vector_load %arg12[%swap3A_263, %swap3A_264] {strides = array<i32>} : memref<200x64xf32, #tpu.memory_space<vmem>>, vector<1x16xf32>,
        %swap3A_266 = vector.shape_cast %swap3A_265 : vector<1x16xf32> to vector<16xf32>
        %swap3A_267 = vector.shape_cast %add3A_262 : vector<16xf32> to vector<1x16xf32>
        tpu.vector_store %arg12[%swap3A_263, %swap3A_264], %swap3A_267 {strides = array<i32>} : memref<200x64xf32, #tpu.memory_space<vmem>>, vector<1x16xf32>,
        %add3A_268 = arith.constant 150 : i32
        %add3A_269 = arith.addi %scan3A_228, %add3A_268 : i32
        %get3A_270 = arith.index_cast %add3A_269 : i32 to index
        %get3A_271 = arith.constant 0 : index
        %get3A_272 = tpu.vector_load %arg8[%get3A_270, %get3A_271] {strides = array<i32>} : memref<200x64xf32, #tpu.memory_space<vmem>>, vector<1x16xf32>,
        %get3A_273 = vector.shape_cast %get3A_272 : vector<1x16xf32> to vector<16xf32>
        %add3A_274 = arith.addf %get3A_273, %get3A_232 : vector<16xf32>
        %swap3A_275 = arith.index_cast %add3A_269 : i32 to index
        %swap3A_276 = arith.constant 0 : index
        %swap3A_277 = tpu.vector_load %arg12[%swap3A_275, %swap3A_276] {strides = array<i32>} : memref<200x64xf32, #tpu.memory_space<vmem>>, vector<1x16xf32>,
        %swap3A_278 = vector.shape_cast %swap3A_277 : vector<1x16xf32> to vector<16xf32>
        %swap3A_279 = vector.shape_cast %add3A_274 : vector<16xf32> to vector<1x16xf32>
        tpu.vector_store %arg12[%swap3A_275, %swap3A_276], %swap3A_279 {strides = array<i32>} : memref<200x64xf32, #tpu.memory_space<vmem>>, vector<1x16xf32>,
        %get3A_280 = arith.index_cast %scan3A_228 : i32 to index
        %get3A_281 = arith.constant 16 : index
        %get3A_282 = tpu.vector_load %arg7[%get3A_280, %get3A_281] {strides = array<i32>} : memref<50x64xf32, #tpu.memory_space<vmem>>, vector<1x16xf32>,
        %get3A_283 = vector.shape_cast %get3A_282 : vector<1x16xf32> to vector<16xf32>
        %add3A_284 = arith.constant 0 : i32
        %add3A_285 = arith.addi %scan3A_228, %add3A_284 : i32
        %get3A_286 = arith.index_cast %add3A_285 : i32 to index
        %get3A_287 = arith.constant 16 : index
        %get3A_288 = tpu.vector_load %arg8[%get3A_286, %get3A_287] {strides = array<i32>} : memref<200x64xf32, #tpu.memory_space<vmem>>, vector<1x16xf32>,
        %get3A_289 = vector.shape_cast %get3A_288 : vector<1x16xf32> to vector<16xf32>
        %add3A_290 = arith.addf %get3A_289, %get3A_283 : vector<16xf32>
        %swap3A_291 = arith.index_cast %add3A_285 : i32 to index
        %swap3A_292 = arith.constant 16 : index
        %swap3A_293 = tpu.vector_load %arg12[%swap3A_291, %swap3A_292] {strides = array<i32>} : memref<200x64xf32, #tpu.memory_space<vmem>>, vector<1x16xf32>,
        %swap3A_294 = vector.shape_cast %swap3A_293 : vector<1x16xf32> to vector<16xf32>
        %swap3A_295 = vector.shape_cast %add3A_290 : vector<16xf32> to vector<1x16xf32>
        tpu.vector_store %arg12[%swap3A_291, %swap3A_292], %swap3A_295 {strides = array<i32>} : memref<200x64xf32, #tpu.memory_space<vmem>>, vector<1x16xf32>,
        %add3A_296 = arith.constant 50 : i32
        %add3A_297 = arith.addi %scan3A_228, %add3A_296 : i32
        %get3A_298 = arith.index_cast %add3A_297 : i32 to index
        %get3A_299 = arith.constant 16 : index
        %get3A_300 = tpu.vector_load %arg8[%get3A_298, %get3A_299] {strides = array<i32>} : memref<200x64xf32, #tpu.memory_space<vmem>>, vector<1x16xf32>,
        %get3A_301 = vector.shape_cast %get3A_300 : vector<1x16xf32> to vector<16xf32>
        %add3A_302 = arith.addf %get3A_301, %get3A_283 : vector<16xf32>
        %swap3A_303 = arith.index_cast %add3A_297 : i32 to index
        %swap3A_304 = arith.constant 16 : index
        %swap3A_305 = tpu.vector_load %arg12[%swap3A_303, %swap3A_304] {strides = array<i32>} : memref<200x64xf32, #tpu.memory_space<vmem>>, vector<1x16xf32>,
        %swap3A_306 = vector.shape_cast %swap3A_305 : vector<1x16xf32> to vector<16xf32>
        %swap3A_307 = vector.shape_cast %add3A_302 : vector<16xf32> to vector<1x16xf32>
        tpu.vector_store %arg12[%swap3A_303, %swap3A_304], %swap3A_307 {strides = array<i32>} : memref<200x64xf32, #tpu.memory_space<vmem>>, vector<1x16xf32>,
        %add3A_308 = arith.constant 100 : i32
        %add3A_309 = arith.addi %scan3A_228, %add3A_308 : i32
        %get3A_310 = arith.index_cast %add3A_309 : i32 to index
        %get3A_311 = arith.constant 16 : index
        %get3A_312 = tpu.vector_load %arg8[%get3A_310, %get3A_311] {strides = array<i32>} : memref<200x64xf32, #tpu.memory_space<vmem>>, vector<1x16xf32>,
        %get3A_313 = vector.shape_cast %get3A_312 : vector<1x16xf32> to vector<16xf32>
        %add3A_314 = arith.addf %get3A_313, %get3A_283 : vector<16xf32>
        %swap3A_315 = arith.index_cast %add3A_309 : i32 to index
        %swap3A_316 = arith.constant 16 : index
        %swap3A_317 = tpu.vector_load %arg12[%swap3A_315, %swap3A_316] {strides = array<i32>} : memref<200x64xf32, #tpu.memory_space<vmem>>, vector<1x16xf32>,
        %swap3A_318 = vector.shape_cast %swap3A_317 : vector<1x16xf32> to vector<16xf32>
        %swap3A_319 = vector.shape_cast %add3A_314 : vector<16xf32> to vector<1x16xf32>
        tpu.vector_store %arg12[%swap3A_315, %swap3A_316], %swap3A_319 {strides = array<i32>} : memref<200x64xf32, #tpu.memory_space<vmem>>, vector<1x16xf32>,
        %add3A_320 = arith.constant 150 : i32
        %add3A_321 = arith.addi %scan3A_228, %add3A_320 : i32
        %get3A_322 = arith.index_cast %add3A_321 : i32 to index
        %get3A_323 = arith.constant 16 : index
        %get3A_324 = tpu.vector_load %arg8[%get3A_322, %get3A_323] {strides = array<i32>} : memref<200x64xf32, #tpu.memory_space<vmem>>, vector<1x16xf32>,
        %get3A_325 = vector.shape_cast %get3A_324 : vector<1x16xf32> to vector<16xf32>
        %add3A_326 = arith.addf %get3A_325, %get3A_283 : vector<16xf32>
        %swap3A_327 = arith.index_cast %add3A_321 : i32 to index
        %swap3A_328 = arith.constant 16 : index
        %swap3A_329 = tpu.vector_load %arg12[%swap3A_327, %swap3A_328] {strides = array<i32>} : memref<200x64xf32, #tpu.memory_space<vmem>>, vector<1x16xf32>,
        %swap3A_330 = vector.shape_cast %swap3A_329 : vector<1x16xf32> to vector<16xf32>
        %swap3A_331 = vector.shape_cast %add3A_326 : vector<16xf32> to vector<1x16xf32>
        tpu.vector_store %arg12[%swap3A_327, %swap3A_328], %swap3A_331 {strides = array<i32>} : memref<200x64xf32, #tpu.memory_space<vmem>>, vector<1x16xf32>,
        %get3A_332 = arith.index_cast %scan3A_228 : i32 to index
        %get3A_333 = arith.constant 32 : index
        %get3A_334 = tpu.vector_load %arg7[%get3A_332, %get3A_333] {strides = array<i32>} : memref<50x64xf32, #tpu.memory_space<vmem>>, vector<1x16xf32>,
        %get3A_335 = vector.shape_cast %get3A_334 : vector<1x16xf32> to vector<16xf32>
        %add3A_336 = arith.constant 0 : i32
        %add3A_337 = arith.addi %scan3A_228, %add3A_336 : i32
        %get3A_338 = arith.index_cast %add3A_337 : i32 to index
        %get3A_339 = arith.constant 32 : index
        %get3A_340 = tpu.vector_load %arg8[%get3A_338, %get3A_339] {strides = array<i32>} : memref<200x64xf32, #tpu.memory_space<vmem>>, vector<1x16xf32>,
        %get3A_341 = vector.shape_cast %get3A_340 : vector<1x16xf32> to vector<16xf32>
        %add3A_342 = arith.addf %get3A_341, %get3A_335 : vector<16xf32>
        %swap3A_343 = arith.index_cast %add3A_337 : i32 to index
        %swap3A_344 = arith.constant 32 : index
        %swap3A_345 = tpu.vector_load %arg12[%swap3A_343, %swap3A_344] {strides = array<i32>} : memref<200x64xf32, #tpu.memory_space<vmem>>, vector<1x16xf32>,
        %swap3A_346 = vector.shape_cast %swap3A_345 : vector<1x16xf32> to vector<16xf32>
        %swap3A_347 = vector.shape_cast %add3A_342 : vector<16xf32> to vector<1x16xf32>
        tpu.vector_store %arg12[%swap3A_343, %swap3A_344], %swap3A_347 {strides = array<i32>} : memref<200x64xf32, #tpu.memory_space<vmem>>, vector<1x16xf32>,
        %add3A_348 = arith.constant 50 : i32
        %add3A_349 = arith.addi %scan3A_228, %add3A_348 : i32
        %get3A_350 = arith.index_cast %add3A_349 : i32 to index
        %get3A_351 = arith.constant 32 : index
        %get3A_352 = tpu.vector_load %arg8[%get3A_350, %get3A_351] {strides = array<i32>} : memref<200x64xf32, #tpu.memory_space<vmem>>, vector<1x16xf32>,
        %get3A_353 = vector.shape_cast %get3A_352 : vector<1x16xf32> to vector<16xf32>
        %add3A_354 = arith.addf %get3A_353, %get3A_335 : vector<16xf32>
        %swap3A_355 = arith.index_cast %add3A_349 : i32 to index
        %swap3A_356 = arith.constant 32 : index
        %swap3A_357 = tpu.vector_load %arg12[%swap3A_355, %swap3A_356] {strides = array<i32>} : memref<200x64xf32, #tpu.memory_space<vmem>>, vector<1x16xf32>,
        %swap3A_358 = vector.shape_cast %swap3A_357 : vector<1x16xf32> to vector<16xf32>
        %swap3A_359 = vector.shape_cast %add3A_354 : vector<16xf32> to vector<1x16xf32>
        tpu.vector_store %arg12[%swap3A_355, %swap3A_356], %swap3A_359 {strides = array<i32>} : memref<200x64xf32, #tpu.memory_space<vmem>>, vector<1x16xf32>,
        %add3A_360 = arith.constant 100 : i32
        %add3A_361 = arith.addi %scan3A_228, %add3A_360 : i32
        %get3A_362 = arith.index_cast %add3A_361 : i32 to index
        %get3A_363 = arith.constant 32 : index
        %get3A_364 = tpu.vector_load %arg8[%get3A_362, %get3A_363] {strides = array<i32>} : memref<200x64xf32, #tpu.memory_space<vmem>>, vector<1x16xf32>,
        %get3A_365 = vector.shape_cast %get3A_364 : vector<1x16xf32> to vector<16xf32>
        %add3A_366 = arith.addf %get3A_365, %get3A_335 : vector<16xf32>
        %swap3A_367 = arith.index_cast %add3A_361 : i32 to index
        %swap3A_368 = arith.constant 32 : index
        %swap3A_369 = tpu.vector_load %arg12[%swap3A_367, %swap3A_368] {strides = array<i32>} : memref<200x64xf32, #tpu.memory_space<vmem>>, vector<1x16xf32>,
        %swap3A_370 = vector.shape_cast %swap3A_369 : vector<1x16xf32> to vector<16xf32>
        %swap3A_371 = vector.shape_cast %add3A_366 : vector<16xf32> to vector<1x16xf32>
        tpu.vector_store %arg12[%swap3A_367, %swap3A_368], %swap3A_371 {strides = array<i32>} : memref<200x64xf32, #tpu.memory_space<vmem>>, vector<1x16xf32>,
        %add3A_372 = arith.constant 150 : i32
        %add3A_373 = arith.addi %scan3A_228, %add3A_372 : i32
        %get3A_374 = arith.index_cast %add3A_373 : i32 to index
        %get3A_375 = arith.constant 32 : index
        %get3A_376 = tpu.vector_load %arg8[%get3A_374, %get3A_375] {strides = array<i32>} : memref<200x64xf32, #tpu.memory_space<vmem>>, vector<1x16xf32>,
        %get3A_377 = vector.shape_cast %get3A_376 : vector<1x16xf32> to vector<16xf32>
        %add3A_378 = arith.addf %get3A_377, %get3A_335 : vector<16xf32>
        %swap3A_379 = arith.index_cast %add3A_373 : i32 to index
        %swap3A_380 = arith.constant 32 : index
        %swap3A_381 = tpu.vector_load %arg12[%swap3A_379, %swap3A_380] {strides = array<i32>} : memref<200x64xf32, #tpu.memory_space<vmem>>, vector<1x16xf32>,
        %swap3A_382 = vector.shape_cast %swap3A_381 : vector<1x16xf32> to vector<16xf32>
        %swap3A_383 = vector.shape_cast %add3A_378 : vector<16xf32> to vector<1x16xf32>
        tpu.vector_store %arg12[%swap3A_379, %swap3A_380], %swap3A_383 {strides = array<i32>} : memref<200x64xf32, #tpu.memory_space<vmem>>, vector<1x16xf32>,
        %get3A_384 = arith.index_cast %scan3A_228 : i32 to index
        %get3A_385 = arith.constant 48 : index
        %get3A_386 = tpu.vector_load %arg7[%get3A_384, %get3A_385] {strides = array<i32>} : memref<50x64xf32, #tpu.memory_space<vmem>>, vector<1x16xf32>,
        %get3A_387 = vector.shape_cast %get3A_386 : vector<1x16xf32> to vector<16xf32>
        %add3A_388 = arith.constant 0 : i32
        %add3A_389 = arith.addi %scan3A_228, %add3A_388 : i32
        %get3A_390 = arith.index_cast %add3A_389 : i32 to index
        %get3A_391 = arith.constant 48 : index
        %get3A_392 = tpu.vector_load %arg8[%get3A_390, %get3A_391] {strides = array<i32>} : memref<200x64xf32, #tpu.memory_space<vmem>>, vector<1x16xf32>,
        %get3A_393 = vector.shape_cast %get3A_392 : vector<1x16xf32> to vector<16xf32>
        %add3A_394 = arith.addf %get3A_393, %get3A_387 : vector<16xf32>
        %swap3A_395 = arith.index_cast %add3A_389 : i32 to index
        %swap3A_396 = arith.constant 48 : index
        %swap3A_397 = tpu.vector_load %arg12[%swap3A_395, %swap3A_396] {strides = array<i32>} : memref<200x64xf32, #tpu.memory_space<vmem>>, vector<1x16xf32>,
        %swap3A_398 = vector.shape_cast %swap3A_397 : vector<1x16xf32> to vector<16xf32>
        %swap3A_399 = vector.shape_cast %add3A_394 : vector<16xf32> to vector<1x16xf32>
        tpu.vector_store %arg12[%swap3A_395, %swap3A_396], %swap3A_399 {strides = array<i32>} : memref<200x64xf32, #tpu.memory_space<vmem>>, vector<1x16xf32>,
        %add3A_400 = arith.constant 50 : i32
        %add3A_401 = arith.addi %scan3A_228, %add3A_400 : i32
        %get3A_402 = arith.index_cast %add3A_401 : i32 to index
        %get3A_403 = arith.constant 48 : index
        %get3A_404 = tpu.vector_load %arg8[%get3A_402, %get3A_403] {strides = array<i32>} : memref<200x64xf32, #tpu.memory_space<vmem>>, vector<1x16xf32>,
        %get3A_405 = vector.shape_cast %get3A_404 : vector<1x16xf32> to vector<16xf32>
        %add3A_406 = arith.addf %get3A_405, %get3A_387 : vector<16xf32>
        %swap3A_407 = arith.index_cast %add3A_401 : i32 to index
        %swap3A_408 = arith.constant 48 : index
        %swap3A_409 = tpu.vector_load %arg12[%swap3A_407, %swap3A_408] {strides = array<i32>} : memref<200x64xf32, #tpu.memory_space<vmem>>, vector<1x16xf32>,
        %swap3A_410 = vector.shape_cast %swap3A_409 : vector<1x16xf32> to vector<16xf32>
        %swap3A_411 = vector.shape_cast %add3A_406 : vector<16xf32> to vector<1x16xf32>
        tpu.vector_store %arg12[%swap3A_407, %swap3A_408], %swap3A_411 {strides = array<i32>} : memref<200x64xf32, #tpu.memory_space<vmem>>, vector<1x16xf32>,
        %add3A_412 = arith.constant 100 : i32
        %add3A_413 = arith.addi %scan3A_228, %add3A_412 : i32
        %get3A_414 = arith.index_cast %add3A_413 : i32 to index
        %get3A_415 = arith.constant 48 : index
        %get3A_416 = tpu.vector_load %arg8[%get3A_414, %get3A_415] {strides = array<i32>} : memref<200x64xf32, #tpu.memory_space<vmem>>, vector<1x16xf32>,
        %get3A_417 = vector.shape_cast %get3A_416 : vector<1x16xf32> to vector<16xf32>
        %add3A_418 = arith.addf %get3A_417, %get3A_387 : vector<16xf32>
        %swap3A_419 = arith.index_cast %add3A_413 : i32 to index
        %swap3A_420 = arith.constant 48 : index
        %swap3A_421 = tpu.vector_load %arg12[%swap3A_419, %swap3A_420] {strides = array<i32>} : memref<200x64xf32, #tpu.memory_space<vmem>>, vector<1x16xf32>,
        %swap3A_422 = vector.shape_cast %swap3A_421 : vector<1x16xf32> to vector<16xf32>
        %swap3A_423 = vector.shape_cast %add3A_418 : vector<16xf32> to vector<1x16xf32>
        tpu.vector_store %arg12[%swap3A_419, %swap3A_420], %swap3A_423 {strides = array<i32>} : memref<200x64xf32, #tpu.memory_space<vmem>>, vector<1x16xf32>,
        %add3A_424 = arith.constant 150 : i32
        %add3A_425 = arith.addi %scan3A_228, %add3A_424 : i32
        %get3A_426 = arith.index_cast %add3A_425 : i32 to index
        %get3A_427 = arith.constant 48 : index
        %get3A_428 = tpu.vector_load %arg8[%get3A_426, %get3A_427] {strides = array<i32>} : memref<200x64xf32, #tpu.memory_space<vmem>>, vector<1x16xf32>,
        %get3A_429 = vector.shape_cast %get3A_428 : vector<1x16xf32> to vector<16xf32>
        %add3A_430 = arith.addf %get3A_429, %get3A_387 : vector<16xf32>
        %swap3A_431 = arith.index_cast %add3A_425 : i32 to index
        %swap3A_432 = arith.constant 48 : index
        %swap3A_433 = tpu.vector_load %arg12[%swap3A_431, %swap3A_432] {strides = array<i32>} : memref<200x64xf32, #tpu.memory_space<vmem>>, vector<1x16xf32>,
        %swap3A_434 = vector.shape_cast %swap3A_433 : vector<1x16xf32> to vector<16xf32>
        %swap3A_435 = vector.shape_cast %add3A_430 : vector<16xf32> to vector<1x16xf32>
        tpu.vector_store %arg12[%swap3A_431, %swap3A_432], %swap3A_435 {strides = array<i32>} : memref<200x64xf32, #tpu.memory_space<vmem>>, vector<1x16xf32>,
        %scan3A_436 = arith.constant 0 : i32
        scf.yield %scan3A_436 : i32
      }
      %scan3A_113 = arith.constant 50 : i32
      %lt3A = arith.constant 7 : i32
      %lt3A_114 = arith.cmpi slt, %scan3A_95, %lt3A : i32
      %convert_element_type3A = arith.extui %lt3A_114 : i1 to i32
      %cond3A = arith.constant 0 : i32
      %cond3A_115 = arith.cmpi ne, %convert_element_type3A, %cond3A : i32
      scf.if %cond3A_115 {
        %add3A_228 = arith.constant 4 : i32
        %add3A_229 = arith.addi %add3A_100, %add3A_228 : i32
        %mul3A_230 = arith.constant 2 : i32
        %mul3A_231 = arith.muli %mul3A_230, %add3A_229 : i32
        %dma_start3A_232 = arith.constant 0 : i32
        %dma_start3A_233 = arith.constant 0 : i32
        %dma_start3A_234 = tpu.memref_slice %arg8[%dma_start3A_232, %dma_start3A_233] : memref<200x64xf32, #tpu.memory_space<vmem>> -> memref<100x64xf32, #tpu.memory_space<vmem>>
        %dma_start3A_235 = arith.constant 0 : i32
        %dma_start3A_236 = tpu.memref_slice %arg6[%mul3A_231, %dma_start3A_235] : memref<64x100xi32, #tpu.memory_space<vmem>> -> memref<1x100xi32, #tpu.memory_space<vmem>>
        %dma_start3A_237 = tpu.memref_squeeze %dma_start3A_236 : memref<1x100xi32, #tpu.memory_space<vmem>> -> memref<100xi32, #tpu.memory_space<vmem>>
        %dma_start3A_238 = arith.constant 0 : i32
        %dma_start3A_239 = arith.constant 0 : i32
        %dma_start3A_240 = tpu.memref_slice %arg4[%dma_start3A_238, %dma_start3A_239] : memref<1000000x64xf32, #tpu.memory_space<hbm>> -> memref<1000000x64xf32, #tpu.memory_space<hbm>>
        tpu.enqueue_indirect_dma source(%dma_start3A_240 : memref<1000000x64xf32, #tpu.memory_space<hbm>>) target(%dma_start3A_234 : memref<100x64xf32, #tpu.memory_space<vmem>>) offsets(%dma_start3A_237 : memref<100xi32, #tpu.memory_space<vmem>>) semaphore(%arg14 : memref<!tpu.dma_semaphore, #tpu.memory_space<semaphore_mem>>)
        %mul3A_241 = arith.constant 2 : i32
        %mul3A_242 = arith.muli %mul3A_241, %add3A_229 : i32
        %add3A_243 = arith.constant 1 : i32
        %add3A_244 = arith.addi %mul3A_242, %add3A_243 : i32
        %dma_start3A_245 = arith.constant 100 : i32
        %dma_start3A_246 = arith.constant 0 : i32
        %dma_start3A_247 = tpu.memref_slice %arg8[%dma_start3A_245, %dma_start3A_246] : memref<200x64xf32, #tpu.memory_space<vmem>> -> memref<100x64xf32, #tpu.memory_space<vmem>>
        %dma_start3A_248 = arith.constant 0 : i32
        %dma_start3A_249 = tpu.memref_slice %arg6[%add3A_244, %dma_start3A_248] : memref<64x100xi32, #tpu.memory_space<vmem>> -> memref<1x100xi32, #tpu.memory_space<vmem>>
        %dma_start3A_250 = tpu.memref_squeeze %dma_start3A_249 : memref<1x100xi32, #tpu.memory_space<vmem>> -> memref<100xi32, #tpu.memory_space<vmem>>
        %dma_start3A_251 = arith.constant 0 : i32
        %dma_start3A_252 = arith.constant 0 : i32
        %dma_start3A_253 = tpu.memref_slice %arg4[%dma_start3A_251, %dma_start3A_252] : memref<1000000x64xf32, #tpu.memory_space<hbm>> -> memref<1000000x64xf32, #tpu.memory_space<hbm>>
        tpu.enqueue_indirect_dma source(%dma_start3A_253 : memref<1000000x64xf32, #tpu.memory_space<hbm>>) target(%dma_start3A_247 : memref<100x64xf32, #tpu.memory_space<vmem>>) offsets(%dma_start3A_250 : memref<100xi32, #tpu.memory_space<vmem>>) semaphore(%arg14 : memref<!tpu.dma_semaphore, #tpu.memory_space<semaphore_mem>>)
      } else {
      }
      %gt3A = arith.constant 0 : i32
      %gt3A_116 = arith.cmpi sgt, %scan3A_95, %gt3A : i32
      %convert_element_type3A_117 = arith.extui %gt3A_116 : i1 to i32
      %cond3A_118 = arith.constant 0 : i32
      %cond3A_119 = arith.cmpi ne, %convert_element_type3A_117, %cond3A_118 : i32
      scf.if %cond3A_119 {
        %dma_wait3A_228 = arith.constant 0 : i32
        %dma_wait3A_229 = tpu.memref_slice %arg5[%mul3A_2, %dma_wait3A_228] : memref<204800x64xf32, #tpu.memory_space<hbm>> -> memref<200x64xf32, #tpu.memory_space<hbm>>
        %dma_wait3A_230 = arith.constant 0 : i32
        %dma_wait3A_231 = tpu.memref_slice %arg5[%mul3A_2, %dma_wait3A_230] : memref<204800x64xf32, #tpu.memory_space<hbm>> -> memref<200x64xf32, #tpu.memory_space<hbm>>
        tpu.wait_dma2 semaphore(%arg18 : memref<!tpu.dma_semaphore, #tpu.memory_space<semaphore_mem>>) src(%arg12 : memref<200x64xf32, #tpu.memory_space<vmem>>) dst(%dma_wait3A_231 : memref<200x64xf32, #tpu.memory_space<hbm>>)
      } else {
      }
      %mul3A_120 = arith.constant 200 : i32
      %mul3A_121 = arith.muli %add3A_100, %mul3A_120 : i32
      %add3A_122 = arith.addi %mul3A_2, %mul3A_121 : i32
      %dma_start3A_123 = arith.constant 0 : i32
      %dma_start3A_124 = tpu.memref_slice %arg5[%add3A_122, %dma_start3A_123] : memref<204800x64xf32, #tpu.memory_space<hbm>> -> memref<200x64xf32, #tpu.memory_space<hbm>>
      %dma_start3A_125 = arith.constant 0 : i32
      %dma_start3A_126 = tpu.memref_slice %arg5[%add3A_122, %dma_start3A_125] : memref<204800x64xf32, #tpu.memory_space<hbm>> -> memref<200x64xf32, #tpu.memory_space<hbm>>
      tpu.enqueue_dma source(%arg12 : memref<200x64xf32, #tpu.memory_space<vmem>>) target(%dma_start3A_126 : memref<200x64xf32, #tpu.memory_space<hbm>>) target_semaphore(%arg18 : memref<!tpu.dma_semaphore, #tpu.memory_space<semaphore_mem>>)
      %mul3A_127 = arith.constant 4 : i32
      %mul3A_128 = arith.muli %mul3A_127, %scan3A_95 : i32
      %add3A_129 = arith.constant 1 : i32
      %add3A_130 = arith.addi %mul3A_128, %add3A_129 : i32
      %dma_wait3A_131 = arith.constant 0 : i32
      %dma_wait3A_132 = arith.constant 0 : i32
      %dma_wait3A_133 = tpu.memref_slice %arg4[%dma_wait3A_131, %dma_wait3A_132] : memref<1000000x64xf32, #tpu.memory_space<hbm>> -> memref<200x64xf32, #tpu.memory_space<hbm>>
      %dma_wait3A_134 = arith.constant 0 : i32
      %dma_wait3A_135 = arith.constant 0 : i32
      %dma_wait3A_136 = tpu.memref_slice %arg4[%dma_wait3A_134, %dma_wait3A_135] : memref<1000000x64xf32, #tpu.memory_space<hbm>> -> memref<200x64xf32, #tpu.memory_space<hbm>>
      tpu.wait_dma2 semaphore(%arg15 : memref<!tpu.dma_semaphore, #tpu.memory_space<semaphore_mem>>) src(%dma_wait3A_136 : memref<200x64xf32, #tpu.memory_space<hbm>>) dst(%arg9 : memref<200x64xf32, #tpu.memory_space<vmem>>)
      %scan3A_137 = arith.constant 0 : i32
      %scan3A_138 = arith.constant 0 : i32
      %scan3A_139 = arith.constant 50 : i32
      %scan3A_140 = arith.addi %scan3A_138, %scan3A_139 : i32
      %scan3A_141 = arith.constant 1 : i32
      %scan3A_142 = scf.for %scan3A_228 = %scan3A_138 to %scan3A_140 step %scan3A_141 iter_args(%scan3A_229 = %scan3A_137) -> (i32)  : i32 {
        %get3A = arith.index_cast %scan3A_228 : i32 to index
        %get3A_230 = arith.constant 0 : index
        %get3A_231 = tpu.vector_load %arg7[%get3A, %get3A_230] {strides = array<i32>} : memref<50x64xf32, #tpu.memory_space<vmem>>, vector<1x16xf32>,
        %get3A_232 = vector.shape_cast %get3A_231 : vector<1x16xf32> to vector<16xf32>
        %add3A_233 = arith.constant 0 : i32
        %add3A_234 = arith.addi %scan3A_228, %add3A_233 : i32
        %get3A_235 = arith.index_cast %add3A_234 : i32 to index
        %get3A_236 = arith.constant 0 : index
        %get3A_237 = tpu.vector_load %arg9[%get3A_235, %get3A_236] {strides = array<i32>} : memref<200x64xf32, #tpu.memory_space<vmem>>, vector<1x16xf32>,
        %get3A_238 = vector.shape_cast %get3A_237 : vector<1x16xf32> to vector<16xf32>
        %add3A_239 = arith.addf %get3A_238, %get3A_232 : vector<16xf32>
        %swap3A = arith.index_cast %add3A_234 : i32 to index
        %swap3A_240 = arith.constant 0 : index
        %swap3A_241 = tpu.vector_load %arg13[%swap3A, %swap3A_240] {strides = array<i32>} : memref<200x64xf32, #tpu.memory_space<vmem>>, vector<1x16xf32>,
        %swap3A_242 = vector.shape_cast %swap3A_241 : vector<1x16xf32> to vector<16xf32>
        %swap3A_243 = vector.shape_cast %add3A_239 : vector<16xf32> to vector<1x16xf32>
        tpu.vector_store %arg13[%swap3A, %swap3A_240], %swap3A_243 {strides = array<i32>} : memref<200x64xf32, #tpu.memory_space<vmem>>, vector<1x16xf32>,
        %add3A_244 = arith.constant 50 : i32
        %add3A_245 = arith.addi %scan3A_228, %add3A_244 : i32
        %get3A_246 = arith.index_cast %add3A_245 : i32 to index
        %get3A_247 = arith.constant 0 : index
        %get3A_248 = tpu.vector_load %arg9[%get3A_246, %get3A_247] {strides = array<i32>} : memref<200x64xf32, #tpu.memory_space<vmem>>, vector<1x16xf32>,
        %get3A_249 = vector.shape_cast %get3A_248 : vector<1x16xf32> to vector<16xf32>
        %add3A_250 = arith.addf %get3A_249, %get3A_232 : vector<16xf32>
        %swap3A_251 = arith.index_cast %add3A_245 : i32 to index
        %swap3A_252 = arith.constant 0 : index
        %swap3A_253 = tpu.vector_load %arg13[%swap3A_251, %swap3A_252] {strides = array<i32>} : memref<200x64xf32, #tpu.memory_space<vmem>>, vector<1x16xf32>,
        %swap3A_254 = vector.shape_cast %swap3A_253 : vector<1x16xf32> to vector<16xf32>
        %swap3A_255 = vector.shape_cast %add3A_250 : vector<16xf32> to vector<1x16xf32>
        tpu.vector_store %arg13[%swap3A_251, %swap3A_252], %swap3A_255 {strides = array<i32>} : memref<200x64xf32, #tpu.memory_space<vmem>>, vector<1x16xf32>,
        %add3A_256 = arith.constant 100 : i32
        %add3A_257 = arith.addi %scan3A_228, %add3A_256 : i32
        %get3A_258 = arith.index_cast %add3A_257 : i32 to index
        %get3A_259 = arith.constant 0 : index
        %get3A_260 = tpu.vector_load %arg9[%get3A_258, %get3A_259] {strides = array<i32>} : memref<200x64xf32, #tpu.memory_space<vmem>>, vector<1x16xf32>,
        %get3A_261 = vector.shape_cast %get3A_260 : vector<1x16xf32> to vector<16xf32>
        %add3A_262 = arith.addf %get3A_261, %get3A_232 : vector<16xf32>
        %swap3A_263 = arith.index_cast %add3A_257 : i32 to index
        %swap3A_264 = arith.constant 0 : index
        %swap3A_265 = tpu.vector_load %arg13[%swap3A_263, %swap3A_264] {strides = array<i32>} : memref<200x64xf32, #tpu.memory_space<vmem>>, vector<1x16xf32>,
        %swap3A_266 = vector.shape_cast %swap3A_265 : vector<1x16xf32> to vector<16xf32>
        %swap3A_267 = vector.shape_cast %add3A_262 : vector<16xf32> to vector<1x16xf32>
        tpu.vector_store %arg13[%swap3A_263, %swap3A_264], %swap3A_267 {strides = array<i32>} : memref<200x64xf32, #tpu.memory_space<vmem>>, vector<1x16xf32>,
        %add3A_268 = arith.constant 150 : i32
        %add3A_269 = arith.addi %scan3A_228, %add3A_268 : i32
        %get3A_270 = arith.index_cast %add3A_269 : i32 to index
        %get3A_271 = arith.constant 0 : index
        %get3A_272 = tpu.vector_load %arg9[%get3A_270, %get3A_271] {strides = array<i32>} : memref<200x64xf32, #tpu.memory_space<vmem>>, vector<1x16xf32>,
        %get3A_273 = vector.shape_cast %get3A_272 : vector<1x16xf32> to vector<16xf32>
        %add3A_274 = arith.addf %get3A_273, %get3A_232 : vector<16xf32>
        %swap3A_275 = arith.index_cast %add3A_269 : i32 to index
        %swap3A_276 = arith.constant 0 : index
        %swap3A_277 = tpu.vector_load %arg13[%swap3A_275, %swap3A_276] {strides = array<i32>} : memref<200x64xf32, #tpu.memory_space<vmem>>, vector<1x16xf32>,
        %swap3A_278 = vector.shape_cast %swap3A_277 : vector<1x16xf32> to vector<16xf32>
        %swap3A_279 = vector.shape_cast %add3A_274 : vector<16xf32> to vector<1x16xf32>
        tpu.vector_store %arg13[%swap3A_275, %swap3A_276], %swap3A_279 {strides = array<i32>} : memref<200x64xf32, #tpu.memory_space<vmem>>, vector<1x16xf32>,
        %get3A_280 = arith.index_cast %scan3A_228 : i32 to index
        %get3A_281 = arith.constant 16 : index
        %get3A_282 = tpu.vector_load %arg7[%get3A_280, %get3A_281] {strides = array<i32>} : memref<50x64xf32, #tpu.memory_space<vmem>>, vector<1x16xf32>,
        %get3A_283 = vector.shape_cast %get3A_282 : vector<1x16xf32> to vector<16xf32>
        %add3A_284 = arith.constant 0 : i32
        %add3A_285 = arith.addi %scan3A_228, %add3A_284 : i32
        %get3A_286 = arith.index_cast %add3A_285 : i32 to index
        %get3A_287 = arith.constant 16 : index
        %get3A_288 = tpu.vector_load %arg9[%get3A_286, %get3A_287] {strides = array<i32>} : memref<200x64xf32, #tpu.memory_space<vmem>>, vector<1x16xf32>,
        %get3A_289 = vector.shape_cast %get3A_288 : vector<1x16xf32> to vector<16xf32>
        %add3A_290 = arith.addf %get3A_289, %get3A_283 : vector<16xf32>
        %swap3A_291 = arith.index_cast %add3A_285 : i32 to index
        %swap3A_292 = arith.constant 16 : index
        %swap3A_293 = tpu.vector_load %arg13[%swap3A_291, %swap3A_292] {strides = array<i32>} : memref<200x64xf32, #tpu.memory_space<vmem>>, vector<1x16xf32>,
        %swap3A_294 = vector.shape_cast %swap3A_293 : vector<1x16xf32> to vector<16xf32>
        %swap3A_295 = vector.shape_cast %add3A_290 : vector<16xf32> to vector<1x16xf32>
        tpu.vector_store %arg13[%swap3A_291, %swap3A_292], %swap3A_295 {strides = array<i32>} : memref<200x64xf32, #tpu.memory_space<vmem>>, vector<1x16xf32>,
        %add3A_296 = arith.constant 50 : i32
        %add3A_297 = arith.addi %scan3A_228, %add3A_296 : i32
        %get3A_298 = arith.index_cast %add3A_297 : i32 to index
        %get3A_299 = arith.constant 16 : index
        %get3A_300 = tpu.vector_load %arg9[%get3A_298, %get3A_299] {strides = array<i32>} : memref<200x64xf32, #tpu.memory_space<vmem>>, vector<1x16xf32>,
        %get3A_301 = vector.shape_cast %get3A_300 : vector<1x16xf32> to vector<16xf32>
        %add3A_302 = arith.addf %get3A_301, %get3A_283 : vector<16xf32>
        %swap3A_303 = arith.index_cast %add3A_297 : i32 to index
        %swap3A_304 = arith.constant 16 : index
        %swap3A_305 = tpu.vector_load %arg13[%swap3A_303, %swap3A_304] {strides = array<i32>} : memref<200x64xf32, #tpu.memory_space<vmem>>, vector<1x16xf32>,
        %swap3A_306 = vector.shape_cast %swap3A_305 : vector<1x16xf32> to vector<16xf32>
        %swap3A_307 = vector.shape_cast %add3A_302 : vector<16xf32> to vector<1x16xf32>
        tpu.vector_store %arg13[%swap3A_303, %swap3A_304], %swap3A_307 {strides = array<i32>} : memref<200x64xf32, #tpu.memory_space<vmem>>, vector<1x16xf32>,
        %add3A_308 = arith.constant 100 : i32
        %add3A_309 = arith.addi %scan3A_228, %add3A_308 : i32
        %get3A_310 = arith.index_cast %add3A_309 : i32 to index
        %get3A_311 = arith.constant 16 : index
        %get3A_312 = tpu.vector_load %arg9[%get3A_310, %get3A_311] {strides = array<i32>} : memref<200x64xf32, #tpu.memory_space<vmem>>, vector<1x16xf32>,
        %get3A_313 = vector.shape_cast %get3A_312 : vector<1x16xf32> to vector<16xf32>
        %add3A_314 = arith.addf %get3A_313, %get3A_283 : vector<16xf32>
        %swap3A_315 = arith.index_cast %add3A_309 : i32 to index
        %swap3A_316 = arith.constant 16 : index
        %swap3A_317 = tpu.vector_load %arg13[%swap3A_315, %swap3A_316] {strides = array<i32>} : memref<200x64xf32, #tpu.memory_space<vmem>>, vector<1x16xf32>,
        %swap3A_318 = vector.shape_cast %swap3A_317 : vector<1x16xf32> to vector<16xf32>
        %swap3A_319 = vector.shape_cast %add3A_314 : vector<16xf32> to vector<1x16xf32>
        tpu.vector_store %arg13[%swap3A_315, %swap3A_316], %swap3A_319 {strides = array<i32>} : memref<200x64xf32, #tpu.memory_space<vmem>>, vector<1x16xf32>,
        %add3A_320 = arith.constant 150 : i32
        %add3A_321 = arith.addi %scan3A_228, %add3A_320 : i32
        %get3A_322 = arith.index_cast %add3A_321 : i32 to index
        %get3A_323 = arith.constant 16 : index
        %get3A_324 = tpu.vector_load %arg9[%get3A_322, %get3A_323] {strides = array<i32>} : memref<200x64xf32, #tpu.memory_space<vmem>>, vector<1x16xf32>,
        %get3A_325 = vector.shape_cast %get3A_324 : vector<1x16xf32> to vector<16xf32>
        %add3A_326 = arith.addf %get3A_325, %get3A_283 : vector<16xf32>
        %swap3A_327 = arith.index_cast %add3A_321 : i32 to index
        %swap3A_328 = arith.constant 16 : index
        %swap3A_329 = tpu.vector_load %arg13[%swap3A_327, %swap3A_328] {strides = array<i32>} : memref<200x64xf32, #tpu.memory_space<vmem>>, vector<1x16xf32>,
        %swap3A_330 = vector.shape_cast %swap3A_329 : vector<1x16xf32> to vector<16xf32>
        %swap3A_331 = vector.shape_cast %add3A_326 : vector<16xf32> to vector<1x16xf32>
        tpu.vector_store %arg13[%swap3A_327, %swap3A_328], %swap3A_331 {strides = array<i32>} : memref<200x64xf32, #tpu.memory_space<vmem>>, vector<1x16xf32>,
        %get3A_332 = arith.index_cast %scan3A_228 : i32 to index
        %get3A_333 = arith.constant 32 : index
        %get3A_334 = tpu.vector_load %arg7[%get3A_332, %get3A_333] {strides = array<i32>} : memref<50x64xf32, #tpu.memory_space<vmem>>, vector<1x16xf32>,
        %get3A_335 = vector.shape_cast %get3A_334 : vector<1x16xf32> to vector<16xf32>
        %add3A_336 = arith.constant 0 : i32
        %add3A_337 = arith.addi %scan3A_228, %add3A_336 : i32
        %get3A_338 = arith.index_cast %add3A_337 : i32 to index
        %get3A_339 = arith.constant 32 : index
        %get3A_340 = tpu.vector_load %arg9[%get3A_338, %get3A_339] {strides = array<i32>} : memref<200x64xf32, #tpu.memory_space<vmem>>, vector<1x16xf32>,
        %get3A_341 = vector.shape_cast %get3A_340 : vector<1x16xf32> to vector<16xf32>
        %add3A_342 = arith.addf %get3A_341, %get3A_335 : vector<16xf32>
        %swap3A_343 = arith.index_cast %add3A_337 : i32 to index
        %swap3A_344 = arith.constant 32 : index
        %swap3A_345 = tpu.vector_load %arg13[%swap3A_343, %swap3A_344] {strides = array<i32>} : memref<200x64xf32, #tpu.memory_space<vmem>>, vector<1x16xf32>,
        %swap3A_346 = vector.shape_cast %swap3A_345 : vector<1x16xf32> to vector<16xf32>
        %swap3A_347 = vector.shape_cast %add3A_342 : vector<16xf32> to vector<1x16xf32>
        tpu.vector_store %arg13[%swap3A_343, %swap3A_344], %swap3A_347 {strides = array<i32>} : memref<200x64xf32, #tpu.memory_space<vmem>>, vector<1x16xf32>,
        %add3A_348 = arith.constant 50 : i32
        %add3A_349 = arith.addi %scan3A_228, %add3A_348 : i32
        %get3A_350 = arith.index_cast %add3A_349 : i32 to index
        %get3A_351 = arith.constant 32 : index
        %get3A_352 = tpu.vector_load %arg9[%get3A_350, %get3A_351] {strides = array<i32>} : memref<200x64xf32, #tpu.memory_space<vmem>>, vector<1x16xf32>,
        %get3A_353 = vector.shape_cast %get3A_352 : vector<1x16xf32> to vector<16xf32>
        %add3A_354 = arith.addf %get3A_353, %get3A_335 : vector<16xf32>
        %swap3A_355 = arith.index_cast %add3A_349 : i32 to index
        %swap3A_356 = arith.constant 32 : index
        %swap3A_357 = tpu.vector_load %arg13[%swap3A_355, %swap3A_356] {strides = array<i32>} : memref<200x64xf32, #tpu.memory_space<vmem>>, vector<1x16xf32>,
        %swap3A_358 = vector.shape_cast %swap3A_357 : vector<1x16xf32> to vector<16xf32>
        %swap3A_359 = vector.shape_cast %add3A_354 : vector<16xf32> to vector<1x16xf32>
        tpu.vector_store %arg13[%swap3A_355, %swap3A_356], %swap3A_359 {strides = array<i32>} : memref<200x64xf32, #tpu.memory_space<vmem>>, vector<1x16xf32>,
        %add3A_360 = arith.constant 100 : i32
        %add3A_361 = arith.addi %scan3A_228, %add3A_360 : i32
        %get3A_362 = arith.index_cast %add3A_361 : i32 to index
        %get3A_363 = arith.constant 32 : index
        %get3A_364 = tpu.vector_load %arg9[%get3A_362, %get3A_363] {strides = array<i32>} : memref<200x64xf32, #tpu.memory_space<vmem>>, vector<1x16xf32>,
        %get3A_365 = vector.shape_cast %get3A_364 : vector<1x16xf32> to vector<16xf32>
        %add3A_366 = arith.addf %get3A_365, %get3A_335 : vector<16xf32>
        %swap3A_367 = arith.index_cast %add3A_361 : i32 to index
        %swap3A_368 = arith.constant 32 : index
        %swap3A_369 = tpu.vector_load %arg13[%swap3A_367, %swap3A_368] {strides = array<i32>} : memref<200x64xf32, #tpu.memory_space<vmem>>, vector<1x16xf32>,
        %swap3A_370 = vector.shape_cast %swap3A_369 : vector<1x16xf32> to vector<16xf32>
        %swap3A_371 = vector.shape_cast %add3A_366 : vector<16xf32> to vector<1x16xf32>
        tpu.vector_store %arg13[%swap3A_367, %swap3A_368], %swap3A_371 {strides = array<i32>} : memref<200x64xf32, #tpu.memory_space<vmem>>, vector<1x16xf32>,
        %add3A_372 = arith.constant 150 : i32
        %add3A_373 = arith.addi %scan3A_228, %add3A_372 : i32
        %get3A_374 = arith.index_cast %add3A_373 : i32 to index
        %get3A_375 = arith.constant 32 : index
        %get3A_376 = tpu.vector_load %arg9[%get3A_374, %get3A_375] {strides = array<i32>} : memref<200x64xf32, #tpu.memory_space<vmem>>, vector<1x16xf32>,
        %get3A_377 = vector.shape_cast %get3A_376 : vector<1x16xf32> to vector<16xf32>
        %add3A_378 = arith.addf %get3A_377, %get3A_335 : vector<16xf32>
        %swap3A_379 = arith.index_cast %add3A_373 : i32 to index
        %swap3A_380 = arith.constant 32 : index
        %swap3A_381 = tpu.vector_load %arg13[%swap3A_379, %swap3A_380] {strides = array<i32>} : memref<200x64xf32, #tpu.memory_space<vmem>>, vector<1x16xf32>,
        %swap3A_382 = vector.shape_cast %swap3A_381 : vector<1x16xf32> to vector<16xf32>
        %swap3A_383 = vector.shape_cast %add3A_378 : vector<16xf32> to vector<1x16xf32>
        tpu.vector_store %arg13[%swap3A_379, %swap3A_380], %swap3A_383 {strides = array<i32>} : memref<200x64xf32, #tpu.memory_space<vmem>>, vector<1x16xf32>,
        %get3A_384 = arith.index_cast %scan3A_228 : i32 to index
        %get3A_385 = arith.constant 48 : index
        %get3A_386 = tpu.vector_load %arg7[%get3A_384, %get3A_385] {strides = array<i32>} : memref<50x64xf32, #tpu.memory_space<vmem>>, vector<1x16xf32>,
        %get3A_387 = vector.shape_cast %get3A_386 : vector<1x16xf32> to vector<16xf32>
        %add3A_388 = arith.constant 0 : i32
        %add3A_389 = arith.addi %scan3A_228, %add3A_388 : i32
        %get3A_390 = arith.index_cast %add3A_389 : i32 to index
        %get3A_391 = arith.constant 48 : index
        %get3A_392 = tpu.vector_load %arg9[%get3A_390, %get3A_391] {strides = array<i32>} : memref<200x64xf32, #tpu.memory_space<vmem>>, vector<1x16xf32>,
        %get3A_393 = vector.shape_cast %get3A_392 : vector<1x16xf32> to vector<16xf32>
        %add3A_394 = arith.addf %get3A_393, %get3A_387 : vector<16xf32>
        %swap3A_395 = arith.index_cast %add3A_389 : i32 to index
        %swap3A_396 = arith.constant 48 : index
        %swap3A_397 = tpu.vector_load %arg13[%swap3A_395, %swap3A_396] {strides = array<i32>} : memref<200x64xf32, #tpu.memory_space<vmem>>, vector<1x16xf32>,
        %swap3A_398 = vector.shape_cast %swap3A_397 : vector<1x16xf32> to vector<16xf32>
        %swap3A_399 = vector.shape_cast %add3A_394 : vector<16xf32> to vector<1x16xf32>
        tpu.vector_store %arg13[%swap3A_395, %swap3A_396], %swap3A_399 {strides = array<i32>} : memref<200x64xf32, #tpu.memory_space<vmem>>, vector<1x16xf32>,
        %add3A_400 = arith.constant 50 : i32
        %add3A_401 = arith.addi %scan3A_228, %add3A_400 : i32
        %get3A_402 = arith.index_cast %add3A_401 : i32 to index
        %get3A_403 = arith.constant 48 : index
        %get3A_404 = tpu.vector_load %arg9[%get3A_402, %get3A_403] {strides = array<i32>} : memref<200x64xf32, #tpu.memory_space<vmem>>, vector<1x16xf32>,
        %get3A_405 = vector.shape_cast %get3A_404 : vector<1x16xf32> to vector<16xf32>
        %add3A_406 = arith.addf %get3A_405, %get3A_387 : vector<16xf32>
        %swap3A_407 = arith.index_cast %add3A_401 : i32 to index
        %swap3A_408 = arith.constant 48 : index
        %swap3A_409 = tpu.vector_load %arg13[%swap3A_407, %swap3A_408] {strides = array<i32>} : memref<200x64xf32, #tpu.memory_space<vmem>>, vector<1x16xf32>,
        %swap3A_410 = vector.shape_cast %swap3A_409 : vector<1x16xf32> to vector<16xf32>
        %swap3A_411 = vector.shape_cast %add3A_406 : vector<16xf32> to vector<1x16xf32>
        tpu.vector_store %arg13[%swap3A_407, %swap3A_408], %swap3A_411 {strides = array<i32>} : memref<200x64xf32, #tpu.memory_space<vmem>>, vector<1x16xf32>,
        %add3A_412 = arith.constant 100 : i32
        %add3A_413 = arith.addi %scan3A_228, %add3A_412 : i32
        %get3A_414 = arith.index_cast %add3A_413 : i32 to index
        %get3A_415 = arith.constant 48 : index
        %get3A_416 = tpu.vector_load %arg9[%get3A_414, %get3A_415] {strides = array<i32>} : memref<200x64xf32, #tpu.memory_space<vmem>>, vector<1x16xf32>,
        %get3A_417 = vector.shape_cast %get3A_416 : vector<1x16xf32> to vector<16xf32>
        %add3A_418 = arith.addf %get3A_417, %get3A_387 : vector<16xf32>
        %swap3A_419 = arith.index_cast %add3A_413 : i32 to index
        %swap3A_420 = arith.constant 48 : index
        %swap3A_421 = tpu.vector_load %arg13[%swap3A_419, %swap3A_420] {strides = array<i32>} : memref<200x64xf32, #tpu.memory_space<vmem>>, vector<1x16xf32>,
        %swap3A_422 = vector.shape_cast %swap3A_421 : vector<1x16xf32> to vector<16xf32>
        %swap3A_423 = vector.shape_cast %add3A_418 : vector<16xf32> to vector<1x16xf32>
        tpu.vector_store %arg13[%swap3A_419, %swap3A_420], %swap3A_423 {strides = array<i32>} : memref<200x64xf32, #tpu.memory_space<vmem>>, vector<1x16xf32>,
        %add3A_424 = arith.constant 150 : i32
        %add3A_425 = arith.addi %scan3A_228, %add3A_424 : i32
        %get3A_426 = arith.index_cast %add3A_425 : i32 to index
        %get3A_427 = arith.constant 48 : index
        %get3A_428 = tpu.vector_load %arg9[%get3A_426, %get3A_427] {strides = array<i32>} : memref<200x64xf32, #tpu.memory_space<vmem>>, vector<1x16xf32>,
        %get3A_429 = vector.shape_cast %get3A_428 : vector<1x16xf32> to vector<16xf32>
        %add3A_430 = arith.addf %get3A_429, %get3A_387 : vector<16xf32>
        %swap3A_431 = arith.index_cast %add3A_425 : i32 to index
        %swap3A_432 = arith.constant 48 : index
        %swap3A_433 = tpu.vector_load %arg13[%swap3A_431, %swap3A_432] {strides = array<i32>} : memref<200x64xf32, #tpu.memory_space<vmem>>, vector<1x16xf32>,
        %swap3A_434 = vector.shape_cast %swap3A_433 : vector<1x16xf32> to vector<16xf32>
        %swap3A_435 = vector.shape_cast %add3A_430 : vector<16xf32> to vector<1x16xf32>
        tpu.vector_store %arg13[%swap3A_431, %swap3A_432], %swap3A_435 {strides = array<i32>} : memref<200x64xf32, #tpu.memory_space<vmem>>, vector<1x16xf32>,
        %scan3A_436 = arith.constant 0 : i32
        scf.yield %scan3A_436 : i32
      }
      %scan3A_143 = arith.constant 50 : i32
      %lt3A_144 = arith.constant 7 : i32
      %lt3A_145 = arith.cmpi slt, %scan3A_95, %lt3A_144 : i32
      %convert_element_type3A_146 = arith.extui %lt3A_145 : i1 to i32
      %cond3A_147 = arith.constant 0 : i32
      %cond3A_148 = arith.cmpi ne, %convert_element_type3A_146, %cond3A_147 : i32
      scf.if %cond3A_148 {
        %add3A_228 = arith.constant 4 : i32
        %add3A_229 = arith.addi %add3A_130, %add3A_228 : i32
        %mul3A_230 = arith.constant 2 : i32
        %mul3A_231 = arith.muli %mul3A_230, %add3A_229 : i32
        %dma_start3A_232 = arith.constant 0 : i32
        %dma_start3A_233 = arith.constant 0 : i32
        %dma_start3A_234 = tpu.memref_slice %arg9[%dma_start3A_232, %dma_start3A_233] : memref<200x64xf32, #tpu.memory_space<vmem>> -> memref<100x64xf32, #tpu.memory_space<vmem>>
        %dma_start3A_235 = arith.constant 0 : i32
        %dma_start3A_236 = tpu.memref_slice %arg6[%mul3A_231, %dma_start3A_235] : memref<64x100xi32, #tpu.memory_space<vmem>> -> memref<1x100xi32, #tpu.memory_space<vmem>>
        %dma_start3A_237 = tpu.memref_squeeze %dma_start3A_236 : memref<1x100xi32, #tpu.memory_space<vmem>> -> memref<100xi32, #tpu.memory_space<vmem>>
        %dma_start3A_238 = arith.constant 0 : i32
        %dma_start3A_239 = arith.constant 0 : i32
        %dma_start3A_240 = tpu.memref_slice %arg4[%dma_start3A_238, %dma_start3A_239] : memref<1000000x64xf32, #tpu.memory_space<hbm>> -> memref<1000000x64xf32, #tpu.memory_space<hbm>>
        tpu.enqueue_indirect_dma source(%dma_start3A_240 : memref<1000000x64xf32, #tpu.memory_space<hbm>>) target(%dma_start3A_234 : memref<100x64xf32, #tpu.memory_space<vmem>>) offsets(%dma_start3A_237 : memref<100xi32, #tpu.memory_space<vmem>>) semaphore(%arg15 : memref<!tpu.dma_semaphore, #tpu.memory_space<semaphore_mem>>)
        %mul3A_241 = arith.constant 2 : i32
        %mul3A_242 = arith.muli %mul3A_241, %add3A_229 : i32
        %add3A_243 = arith.constant 1 : i32
        %add3A_244 = arith.addi %mul3A_242, %add3A_243 : i32
        %dma_start3A_245 = arith.constant 100 : i32
        %dma_start3A_246 = arith.constant 0 : i32
        %dma_start3A_247 = tpu.memref_slice %arg9[%dma_start3A_245, %dma_start3A_246] : memref<200x64xf32, #tpu.memory_space<vmem>> -> memref<100x64xf32, #tpu.memory_space<vmem>>
        %dma_start3A_248 = arith.constant 0 : i32
        %dma_start3A_249 = tpu.memref_slice %arg6[%add3A_244, %dma_start3A_248] : memref<64x100xi32, #tpu.memory_space<vmem>> -> memref<1x100xi32, #tpu.memory_space<vmem>>
        %dma_start3A_250 = tpu.memref_squeeze %dma_start3A_249 : memref<1x100xi32, #tpu.memory_space<vmem>> -> memref<100xi32, #tpu.memory_space<vmem>>
        %dma_start3A_251 = arith.constant 0 : i32
        %dma_start3A_252 = arith.constant 0 : i32
        %dma_start3A_253 = tpu.memref_slice %arg4[%dma_start3A_251, %dma_start3A_252] : memref<1000000x64xf32, #tpu.memory_space<hbm>> -> memref<1000000x64xf32, #tpu.memory_space<hbm>>
        tpu.enqueue_indirect_dma source(%dma_start3A_253 : memref<1000000x64xf32, #tpu.memory_space<hbm>>) target(%dma_start3A_247 : memref<100x64xf32, #tpu.memory_space<vmem>>) offsets(%dma_start3A_250 : memref<100xi32, #tpu.memory_space<vmem>>) semaphore(%arg15 : memref<!tpu.dma_semaphore, #tpu.memory_space<semaphore_mem>>)
      } else {
      }
      %gt3A_149 = arith.constant 0 : i32
      %gt3A_150 = arith.cmpi sgt, %scan3A_95, %gt3A_149 : i32
      %convert_element_type3A_151 = arith.extui %gt3A_150 : i1 to i32
      %cond3A_152 = arith.constant 0 : i32
      %cond3A_153 = arith.cmpi ne, %convert_element_type3A_151, %cond3A_152 : i32
      scf.if %cond3A_153 {
        %dma_wait3A_228 = arith.constant 0 : i32
        %dma_wait3A_229 = tpu.memref_slice %arg5[%mul3A_2, %dma_wait3A_228] : memref<204800x64xf32, #tpu.memory_space<hbm>> -> memref<200x64xf32, #tpu.memory_space<hbm>>
        %dma_wait3A_230 = arith.constant 0 : i32
        %dma_wait3A_231 = tpu.memref_slice %arg5[%mul3A_2, %dma_wait3A_230] : memref<204800x64xf32, #tpu.memory_space<hbm>> -> memref<200x64xf32, #tpu.memory_space<hbm>>
        tpu.wait_dma2 semaphore(%arg19 : memref<!tpu.dma_semaphore, #tpu.memory_space<semaphore_mem>>) src(%arg13 : memref<200x64xf32, #tpu.memory_space<vmem>>) dst(%dma_wait3A_231 : memref<200x64xf32, #tpu.memory_space<hbm>>)
      } else {
      }
      %mul3A_154 = arith.constant 200 : i32
      %mul3A_155 = arith.muli %add3A_130, %mul3A_154 : i32
      %add3A_156 = arith.addi %mul3A_2, %mul3A_155 : i32
      %dma_start3A_157 = arith.constant 0 : i32
      %dma_start3A_158 = tpu.memref_slice %arg5[%add3A_156, %dma_start3A_157] : memref<204800x64xf32, #tpu.memory_space<hbm>> -> memref<200x64xf32, #tpu.memory_space<hbm>>
      %dma_start3A_159 = arith.constant 0 : i32
      %dma_start3A_160 = tpu.memref_slice %arg5[%add3A_156, %dma_start3A_159] : memref<204800x64xf32, #tpu.memory_space<hbm>> -> memref<200x64xf32, #tpu.memory_space<hbm>>
      tpu.enqueue_dma source(%arg13 : memref<200x64xf32, #tpu.memory_space<vmem>>) target(%dma_start3A_160 : memref<200x64xf32, #tpu.memory_space<hbm>>) target_semaphore(%arg19 : memref<!tpu.dma_semaphore, #tpu.memory_space<semaphore_mem>>)
      %mul3A_161 = arith.constant 4 : i32
      %mul3A_162 = arith.muli %mul3A_161, %scan3A_95 : i32
      %add3A_163 = arith.constant 2 : i32
      %add3A_164 = arith.addi %mul3A_162, %add3A_163 : i32
      %dma_wait3A_165 = arith.constant 0 : i32
      %dma_wait3A_166 = arith.constant 0 : i32
      %dma_wait3A_167 = tpu.memref_slice %arg4[%dma_wait3A_165, %dma_wait3A_166] : memref<1000000x64xf32, #tpu.memory_space<hbm>> -> memref<200x64xf32, #tpu.memory_space<hbm>>
      %dma_wait3A_168 = arith.constant 0 : i32
      %dma_wait3A_169 = arith.constant 0 : i32
      %dma_wait3A_170 = tpu.memref_slice %arg4[%dma_wait3A_168, %dma_wait3A_169] : memref<1000000x64xf32, #tpu.memory_space<hbm>> -> memref<200x64xf32, #tpu.memory_space<hbm>>
      tpu.wait_dma2 semaphore(%arg16 : memref<!tpu.dma_semaphore, #tpu.memory_space<semaphore_mem>>) src(%dma_wait3A_170 : memref<200x64xf32, #tpu.memory_space<hbm>>) dst(%arg10 : memref<200x64xf32, #tpu.memory_space<vmem>>)
      %scan3A_171 = arith.constant 0 : i32
      %scan3A_172 = arith.constant 0 : i32
      %scan3A_173 = arith.constant 50 : i32
      %scan3A_174 = arith.addi %scan3A_172, %scan3A_173 : i32
      %scan3A_175 = arith.constant 1 : i32
      %scan3A_176 = scf.for %scan3A_228 = %scan3A_172 to %scan3A_174 step %scan3A_175 iter_args(%scan3A_229 = %scan3A_171) -> (i32)  : i32 {
        %get3A = arith.index_cast %scan3A_228 : i32 to index
        %get3A_230 = arith.constant 0 : index
        %get3A_231 = tpu.vector_load %arg7[%get3A, %get3A_230] {strides = array<i32>} : memref<50x64xf32, #tpu.memory_space<vmem>>, vector<1x16xf32>,
        %get3A_232 = vector.shape_cast %get3A_231 : vector<1x16xf32> to vector<16xf32>
        %add3A_233 = arith.constant 0 : i32
        %add3A_234 = arith.addi %scan3A_228, %add3A_233 : i32
        %get3A_235 = arith.index_cast %add3A_234 : i32 to index
        %get3A_236 = arith.constant 0 : index
        %get3A_237 = tpu.vector_load %arg10[%get3A_235, %get3A_236] {strides = array<i32>} : memref<200x64xf32, #tpu.memory_space<vmem>>, vector<1x16xf32>,
        %get3A_238 = vector.shape_cast %get3A_237 : vector<1x16xf32> to vector<16xf32>
        %add3A_239 = arith.addf %get3A_238, %get3A_232 : vector<16xf32>
        %swap3A = arith.index_cast %add3A_234 : i32 to index
        %swap3A_240 = arith.constant 0 : index
        %swap3A_241 = tpu.vector_load %arg12[%swap3A, %swap3A_240] {strides = array<i32>} : memref<200x64xf32, #tpu.memory_space<vmem>>, vector<1x16xf32>,
        %swap3A_242 = vector.shape_cast %swap3A_241 : vector<1x16xf32> to vector<16xf32>
        %swap3A_243 = vector.shape_cast %add3A_239 : vector<16xf32> to vector<1x16xf32>
        tpu.vector_store %arg12[%swap3A, %swap3A_240], %swap3A_243 {strides = array<i32>} : memref<200x64xf32, #tpu.memory_space<vmem>>, vector<1x16xf32>,
        %add3A_244 = arith.constant 50 : i32
        %add3A_245 = arith.addi %scan3A_228, %add3A_244 : i32
        %get3A_246 = arith.index_cast %add3A_245 : i32 to index
        %get3A_247 = arith.constant 0 : index
        %get3A_248 = tpu.vector_load %arg10[%get3A_246, %get3A_247] {strides = array<i32>} : memref<200x64xf32, #tpu.memory_space<vmem>>, vector<1x16xf32>,
        %get3A_249 = vector.shape_cast %get3A_248 : vector<1x16xf32> to vector<16xf32>
        %add3A_250 = arith.addf %get3A_249, %get3A_232 : vector<16xf32>
        %swap3A_251 = arith.index_cast %add3A_245 : i32 to index
        %swap3A_252 = arith.constant 0 : index
        %swap3A_253 = tpu.vector_load %arg12[%swap3A_251, %swap3A_252] {strides = array<i32>} : memref<200x64xf32, #tpu.memory_space<vmem>>, vector<1x16xf32>,
        %swap3A_254 = vector.shape_cast %swap3A_253 : vector<1x16xf32> to vector<16xf32>
        %swap3A_255 = vector.shape_cast %add3A_250 : vector<16xf32> to vector<1x16xf32>
        tpu.vector_store %arg12[%swap3A_251, %swap3A_252], %swap3A_255 {strides = array<i32>} : memref<200x64xf32, #tpu.memory_space<vmem>>, vector<1x16xf32>,
        %add3A_256 = arith.constant 100 : i32
        %add3A_257 = arith.addi %scan3A_228, %add3A_256 : i32
        %get3A_258 = arith.index_cast %add3A_257 : i32 to index
        %get3A_259 = arith.constant 0 : index
        %get3A_260 = tpu.vector_load %arg10[%get3A_258, %get3A_259] {strides = array<i32>} : memref<200x64xf32, #tpu.memory_space<vmem>>, vector<1x16xf32>,
        %get3A_261 = vector.shape_cast %get3A_260 : vector<1x16xf32> to vector<16xf32>
        %add3A_262 = arith.addf %get3A_261, %get3A_232 : vector<16xf32>
        %swap3A_263 = arith.index_cast %add3A_257 : i32 to index
        %swap3A_264 = arith.constant 0 : index
        %swap3A_265 = tpu.vector_load %arg12[%swap3A_263, %swap3A_264] {strides = array<i32>} : memref<200x64xf32, #tpu.memory_space<vmem>>, vector<1x16xf32>,
        %swap3A_266 = vector.shape_cast %swap3A_265 : vector<1x16xf32> to vector<16xf32>
        %swap3A_267 = vector.shape_cast %add3A_262 : vector<16xf32> to vector<1x16xf32>
        tpu.vector_store %arg12[%swap3A_263, %swap3A_264], %swap3A_267 {strides = array<i32>} : memref<200x64xf32, #tpu.memory_space<vmem>>, vector<1x16xf32>,
        %add3A_268 = arith.constant 150 : i32
        %add3A_269 = arith.addi %scan3A_228, %add3A_268 : i32
        %get3A_270 = arith.index_cast %add3A_269 : i32 to index
        %get3A_271 = arith.constant 0 : index
        %get3A_272 = tpu.vector_load %arg10[%get3A_270, %get3A_271] {strides = array<i32>} : memref<200x64xf32, #tpu.memory_space<vmem>>, vector<1x16xf32>,
        %get3A_273 = vector.shape_cast %get3A_272 : vector<1x16xf32> to vector<16xf32>
        %add3A_274 = arith.addf %get3A_273, %get3A_232 : vector<16xf32>
        %swap3A_275 = arith.index_cast %add3A_269 : i32 to index
        %swap3A_276 = arith.constant 0 : index
        %swap3A_277 = tpu.vector_load %arg12[%swap3A_275, %swap3A_276] {strides = array<i32>} : memref<200x64xf32, #tpu.memory_space<vmem>>, vector<1x16xf32>,
        %swap3A_278 = vector.shape_cast %swap3A_277 : vector<1x16xf32> to vector<16xf32>
        %swap3A_279 = vector.shape_cast %add3A_274 : vector<16xf32> to vector<1x16xf32>
        tpu.vector_store %arg12[%swap3A_275, %swap3A_276], %swap3A_279 {strides = array<i32>} : memref<200x64xf32, #tpu.memory_space<vmem>>, vector<1x16xf32>,
        %get3A_280 = arith.index_cast %scan3A_228 : i32 to index
        %get3A_281 = arith.constant 16 : index
        %get3A_282 = tpu.vector_load %arg7[%get3A_280, %get3A_281] {strides = array<i32>} : memref<50x64xf32, #tpu.memory_space<vmem>>, vector<1x16xf32>,
        %get3A_283 = vector.shape_cast %get3A_282 : vector<1x16xf32> to vector<16xf32>
        %add3A_284 = arith.constant 0 : i32
        %add3A_285 = arith.addi %scan3A_228, %add3A_284 : i32
        %get3A_286 = arith.index_cast %add3A_285 : i32 to index
        %get3A_287 = arith.constant 16 : index
        %get3A_288 = tpu.vector_load %arg10[%get3A_286, %get3A_287] {strides = array<i32>} : memref<200x64xf32, #tpu.memory_space<vmem>>, vector<1x16xf32>,
        %get3A_289 = vector.shape_cast %get3A_288 : vector<1x16xf32> to vector<16xf32>
        %add3A_290 = arith.addf %get3A_289, %get3A_283 : vector<16xf32>
        %swap3A_291 = arith.index_cast %add3A_285 : i32 to index
        %swap3A_292 = arith.constant 16 : index
        %swap3A_293 = tpu.vector_load %arg12[%swap3A_291, %swap3A_292] {strides = array<i32>} : memref<200x64xf32, #tpu.memory_space<vmem>>, vector<1x16xf32>,
        %swap3A_294 = vector.shape_cast %swap3A_293 : vector<1x16xf32> to vector<16xf32>
        %swap3A_295 = vector.shape_cast %add3A_290 : vector<16xf32> to vector<1x16xf32>
        tpu.vector_store %arg12[%swap3A_291, %swap3A_292], %swap3A_295 {strides = array<i32>} : memref<200x64xf32, #tpu.memory_space<vmem>>, vector<1x16xf32>,
        %add3A_296 = arith.constant 50 : i32
        %add3A_297 = arith.addi %scan3A_228, %add3A_296 : i32
        %get3A_298 = arith.index_cast %add3A_297 : i32 to index
        %get3A_299 = arith.constant 16 : index
        %get3A_300 = tpu.vector_load %arg10[%get3A_298, %get3A_299] {strides = array<i32>} : memref<200x64xf32, #tpu.memory_space<vmem>>, vector<1x16xf32>,
        %get3A_301 = vector.shape_cast %get3A_300 : vector<1x16xf32> to vector<16xf32>
        %add3A_302 = arith.addf %get3A_301, %get3A_283 : vector<16xf32>
        %swap3A_303 = arith.index_cast %add3A_297 : i32 to index
        %swap3A_304 = arith.constant 16 : index
        %swap3A_305 = tpu.vector_load %arg12[%swap3A_303, %swap3A_304] {strides = array<i32>} : memref<200x64xf32, #tpu.memory_space<vmem>>, vector<1x16xf32>,
        %swap3A_306 = vector.shape_cast %swap3A_305 : vector<1x16xf32> to vector<16xf32>
        %swap3A_307 = vector.shape_cast %add3A_302 : vector<16xf32> to vector<1x16xf32>
        tpu.vector_store %arg12[%swap3A_303, %swap3A_304], %swap3A_307 {strides = array<i32>} : memref<200x64xf32, #tpu.memory_space<vmem>>, vector<1x16xf32>,
        %add3A_308 = arith.constant 100 : i32
        %add3A_309 = arith.addi %scan3A_228, %add3A_308 : i32
        %get3A_310 = arith.index_cast %add3A_309 : i32 to index
        %get3A_311 = arith.constant 16 : index
        %get3A_312 = tpu.vector_load %arg10[%get3A_310, %get3A_311] {strides = array<i32>} : memref<200x64xf32, #tpu.memory_space<vmem>>, vector<1x16xf32>,
        %get3A_313 = vector.shape_cast %get3A_312 : vector<1x16xf32> to vector<16xf32>
        %add3A_314 = arith.addf %get3A_313, %get3A_283 : vector<16xf32>
        %swap3A_315 = arith.index_cast %add3A_309 : i32 to index
        %swap3A_316 = arith.constant 16 : index
        %swap3A_317 = tpu.vector_load %arg12[%swap3A_315, %swap3A_316] {strides = array<i32>} : memref<200x64xf32, #tpu.memory_space<vmem>>, vector<1x16xf32>,
        %swap3A_318 = vector.shape_cast %swap3A_317 : vector<1x16xf32> to vector<16xf32>
        %swap3A_319 = vector.shape_cast %add3A_314 : vector<16xf32> to vector<1x16xf32>
        tpu.vector_store %arg12[%swap3A_315, %swap3A_316], %swap3A_319 {strides = array<i32>} : memref<200x64xf32, #tpu.memory_space<vmem>>, vector<1x16xf32>,
        %add3A_320 = arith.constant 150 : i32
        %add3A_321 = arith.addi %scan3A_228, %add3A_320 : i32
        %get3A_322 = arith.index_cast %add3A_321 : i32 to index
        %get3A_323 = arith.constant 16 : index
        %get3A_324 = tpu.vector_load %arg10[%get3A_322, %get3A_323] {strides = array<i32>} : memref<200x64xf32, #tpu.memory_space<vmem>>, vector<1x16xf32>,
        %get3A_325 = vector.shape_cast %get3A_324 : vector<1x16xf32> to vector<16xf32>
        %add3A_326 = arith.addf %get3A_325, %get3A_283 : vector<16xf32>
        %swap3A_327 = arith.index_cast %add3A_321 : i32 to index
        %swap3A_328 = arith.constant 16 : index
        %swap3A_329 = tpu.vector_load %arg12[%swap3A_327, %swap3A_328] {strides = array<i32>} : memref<200x64xf32, #tpu.memory_space<vmem>>, vector<1x16xf32>,
        %swap3A_330 = vector.shape_cast %swap3A_329 : vector<1x16xf32> to vector<16xf32>
        %swap3A_331 = vector.shape_cast %add3A_326 : vector<16xf32> to vector<1x16xf32>
        tpu.vector_store %arg12[%swap3A_327, %swap3A_328], %swap3A_331 {strides = array<i32>} : memref<200x64xf32, #tpu.memory_space<vmem>>, vector<1x16xf32>,
        %get3A_332 = arith.index_cast %scan3A_228 : i32 to index
        %get3A_333 = arith.constant 32 : index
        %get3A_334 = tpu.vector_load %arg7[%get3A_332, %get3A_333] {strides = array<i32>} : memref<50x64xf32, #tpu.memory_space<vmem>>, vector<1x16xf32>,
        %get3A_335 = vector.shape_cast %get3A_334 : vector<1x16xf32> to vector<16xf32>
        %add3A_336 = arith.constant 0 : i32
        %add3A_337 = arith.addi %scan3A_228, %add3A_336 : i32
        %get3A_338 = arith.index_cast %add3A_337 : i32 to index
        %get3A_339 = arith.constant 32 : index
        %get3A_340 = tpu.vector_load %arg10[%get3A_338, %get3A_339] {strides = array<i32>} : memref<200x64xf32, #tpu.memory_space<vmem>>, vector<1x16xf32>,
        %get3A_341 = vector.shape_cast %get3A_340 : vector<1x16xf32> to vector<16xf32>
        %add3A_342 = arith.addf %get3A_341, %get3A_335 : vector<16xf32>
        %swap3A_343 = arith.index_cast %add3A_337 : i32 to index
        %swap3A_344 = arith.constant 32 : index
        %swap3A_345 = tpu.vector_load %arg12[%swap3A_343, %swap3A_344] {strides = array<i32>} : memref<200x64xf32, #tpu.memory_space<vmem>>, vector<1x16xf32>,
        %swap3A_346 = vector.shape_cast %swap3A_345 : vector<1x16xf32> to vector<16xf32>
        %swap3A_347 = vector.shape_cast %add3A_342 : vector<16xf32> to vector<1x16xf32>
        tpu.vector_store %arg12[%swap3A_343, %swap3A_344], %swap3A_347 {strides = array<i32>} : memref<200x64xf32, #tpu.memory_space<vmem>>, vector<1x16xf32>,
        %add3A_348 = arith.constant 50 : i32
        %add3A_349 = arith.addi %scan3A_228, %add3A_348 : i32
        %get3A_350 = arith.index_cast %add3A_349 : i32 to index
        %get3A_351 = arith.constant 32 : index
        %get3A_352 = tpu.vector_load %arg10[%get3A_350, %get3A_351] {strides = array<i32>} : memref<200x64xf32, #tpu.memory_space<vmem>>, vector<1x16xf32>,
        %get3A_353 = vector.shape_cast %get3A_352 : vector<1x16xf32> to vector<16xf32>
        %add3A_354 = arith.addf %get3A_353, %get3A_335 : vector<16xf32>
        %swap3A_355 = arith.index_cast %add3A_349 : i32 to index
        %swap3A_356 = arith.constant 32 : index
        %swap3A_357 = tpu.vector_load %arg12[%swap3A_355, %swap3A_356] {strides = array<i32>} : memref<200x64xf32, #tpu.memory_space<vmem>>, vector<1x16xf32>,
        %swap3A_358 = vector.shape_cast %swap3A_357 : vector<1x16xf32> to vector<16xf32>
        %swap3A_359 = vector.shape_cast %add3A_354 : vector<16xf32> to vector<1x16xf32>
        tpu.vector_store %arg12[%swap3A_355, %swap3A_356], %swap3A_359 {strides = array<i32>} : memref<200x64xf32, #tpu.memory_space<vmem>>, vector<1x16xf32>,
        %add3A_360 = arith.constant 100 : i32
        %add3A_361 = arith.addi %scan3A_228, %add3A_360 : i32
        %get3A_362 = arith.index_cast %add3A_361 : i32 to index
        %get3A_363 = arith.constant 32 : index
        %get3A_364 = tpu.vector_load %arg10[%get3A_362, %get3A_363] {strides = array<i32>} : memref<200x64xf32, #tpu.memory_space<vmem>>, vector<1x16xf32>,
        %get3A_365 = vector.shape_cast %get3A_364 : vector<1x16xf32> to vector<16xf32>
        %add3A_366 = arith.addf %get3A_365, %get3A_335 : vector<16xf32>
        %swap3A_367 = arith.index_cast %add3A_361 : i32 to index
        %swap3A_368 = arith.constant 32 : index
        %swap3A_369 = tpu.vector_load %arg12[%swap3A_367, %swap3A_368] {strides = array<i32>} : memref<200x64xf32, #tpu.memory_space<vmem>>, vector<1x16xf32>,
        %swap3A_370 = vector.shape_cast %swap3A_369 : vector<1x16xf32> to vector<16xf32>
        %swap3A_371 = vector.shape_cast %add3A_366 : vector<16xf32> to vector<1x16xf32>
        tpu.vector_store %arg12[%swap3A_367, %swap3A_368], %swap3A_371 {strides = array<i32>} : memref<200x64xf32, #tpu.memory_space<vmem>>, vector<1x16xf32>,
        %add3A_372 = arith.constant 150 : i32
        %add3A_373 = arith.addi %scan3A_228, %add3A_372 : i32
        %get3A_374 = arith.index_cast %add3A_373 : i32 to index
        %get3A_375 = arith.constant 32 : index
        %get3A_376 = tpu.vector_load %arg10[%get3A_374, %get3A_375] {strides = array<i32>} : memref<200x64xf32, #tpu.memory_space<vmem>>, vector<1x16xf32>,
        %get3A_377 = vector.shape_cast %get3A_376 : vector<1x16xf32> to vector<16xf32>
        %add3A_378 = arith.addf %get3A_377, %get3A_335 : vector<16xf32>
        %swap3A_379 = arith.index_cast %add3A_373 : i32 to index
        %swap3A_380 = arith.constant 32 : index
        %swap3A_381 = tpu.vector_load %arg12[%swap3A_379, %swap3A_380] {strides = array<i32>} : memref<200x64xf32, #tpu.memory_space<vmem>>, vector<1x16xf32>,
        %swap3A_382 = vector.shape_cast %swap3A_381 : vector<1x16xf32> to vector<16xf32>
        %swap3A_383 = vector.shape_cast %add3A_378 : vector<16xf32> to vector<1x16xf32>
        tpu.vector_store %arg12[%swap3A_379, %swap3A_380], %swap3A_383 {strides = array<i32>} : memref<200x64xf32, #tpu.memory_space<vmem>>, vector<1x16xf32>,
        %get3A_384 = arith.index_cast %scan3A_228 : i32 to index
        %get3A_385 = arith.constant 48 : index
        %get3A_386 = tpu.vector_load %arg7[%get3A_384, %get3A_385] {strides = array<i32>} : memref<50x64xf32, #tpu.memory_space<vmem>>, vector<1x16xf32>,
        %get3A_387 = vector.shape_cast %get3A_386 : vector<1x16xf32> to vector<16xf32>
        %add3A_388 = arith.constant 0 : i32
        %add3A_389 = arith.addi %scan3A_228, %add3A_388 : i32
        %get3A_390 = arith.index_cast %add3A_389 : i32 to index
        %get3A_391 = arith.constant 48 : index
        %get3A_392 = tpu.vector_load %arg10[%get3A_390, %get3A_391] {strides = array<i32>} : memref<200x64xf32, #tpu.memory_space<vmem>>, vector<1x16xf32>,
        %get3A_393 = vector.shape_cast %get3A_392 : vector<1x16xf32> to vector<16xf32>
        %add3A_394 = arith.addf %get3A_393, %get3A_387 : vector<16xf32>
        %swap3A_395 = arith.index_cast %add3A_389 : i32 to index
        %swap3A_396 = arith.constant 48 : index
        %swap3A_397 = tpu.vector_load %arg12[%swap3A_395, %swap3A_396] {strides = array<i32>} : memref<200x64xf32, #tpu.memory_space<vmem>>, vector<1x16xf32>,
        %swap3A_398 = vector.shape_cast %swap3A_397 : vector<1x16xf32> to vector<16xf32>
        %swap3A_399 = vector.shape_cast %add3A_394 : vector<16xf32> to vector<1x16xf32>
        tpu.vector_store %arg12[%swap3A_395, %swap3A_396], %swap3A_399 {strides = array<i32>} : memref<200x64xf32, #tpu.memory_space<vmem>>, vector<1x16xf32>,
        %add3A_400 = arith.constant 50 : i32
        %add3A_401 = arith.addi %scan3A_228, %add3A_400 : i32
        %get3A_402 = arith.index_cast %add3A_401 : i32 to index
        %get3A_403 = arith.constant 48 : index
        %get3A_404 = tpu.vector_load %arg10[%get3A_402, %get3A_403] {strides = array<i32>} : memref<200x64xf32, #tpu.memory_space<vmem>>, vector<1x16xf32>,
        %get3A_405 = vector.shape_cast %get3A_404 : vector<1x16xf32> to vector<16xf32>
        %add3A_406 = arith.addf %get3A_405, %get3A_387 : vector<16xf32>
        %swap3A_407 = arith.index_cast %add3A_401 : i32 to index
        %swap3A_408 = arith.constant 48 : index
        %swap3A_409 = tpu.vector_load %arg12[%swap3A_407, %swap3A_408] {strides = array<i32>} : memref<200x64xf32, #tpu.memory_space<vmem>>, vector<1x16xf32>,
        %swap3A_410 = vector.shape_cast %swap3A_409 : vector<1x16xf32> to vector<16xf32>
        %swap3A_411 = vector.shape_cast %add3A_406 : vector<16xf32> to vector<1x16xf32>
        tpu.vector_store %arg12[%swap3A_407, %swap3A_408], %swap3A_411 {strides = array<i32>} : memref<200x64xf32, #tpu.memory_space<vmem>>, vector<1x16xf32>,
        %add3A_412 = arith.constant 100 : i32
        %add3A_413 = arith.addi %scan3A_228, %add3A_412 : i32
        %get3A_414 = arith.index_cast %add3A_413 : i32 to index
        %get3A_415 = arith.constant 48 : index
        %get3A_416 = tpu.vector_load %arg10[%get3A_414, %get3A_415] {strides = array<i32>} : memref<200x64xf32, #tpu.memory_space<vmem>>, vector<1x16xf32>,
        %get3A_417 = vector.shape_cast %get3A_416 : vector<1x16xf32> to vector<16xf32>
        %add3A_418 = arith.addf %get3A_417, %get3A_387 : vector<16xf32>
        %swap3A_419 = arith.index_cast %add3A_413 : i32 to index
        %swap3A_420 = arith.constant 48 : index
        %swap3A_421 = tpu.vector_load %arg12[%swap3A_419, %swap3A_420] {strides = array<i32>} : memref<200x64xf32, #tpu.memory_space<vmem>>, vector<1x16xf32>,
        %swap3A_422 = vector.shape_cast %swap3A_421 : vector<1x16xf32> to vector<16xf32>
        %swap3A_423 = vector.shape_cast %add3A_418 : vector<16xf32> to vector<1x16xf32>
        tpu.vector_store %arg12[%swap3A_419, %swap3A_420], %swap3A_423 {strides = array<i32>} : memref<200x64xf32, #tpu.memory_space<vmem>>, vector<1x16xf32>,
        %add3A_424 = arith.constant 150 : i32
        %add3A_425 = arith.addi %scan3A_228, %add3A_424 : i32
        %get3A_426 = arith.index_cast %add3A_425 : i32 to index
        %get3A_427 = arith.constant 48 : index
        %get3A_428 = tpu.vector_load %arg10[%get3A_426, %get3A_427] {strides = array<i32>} : memref<200x64xf32, #tpu.memory_space<vmem>>, vector<1x16xf32>,
        %get3A_429 = vector.shape_cast %get3A_428 : vector<1x16xf32> to vector<16xf32>
        %add3A_430 = arith.addf %get3A_429, %get3A_387 : vector<16xf32>
        %swap3A_431 = arith.index_cast %add3A_425 : i32 to index
        %swap3A_432 = arith.constant 48 : index
        %swap3A_433 = tpu.vector_load %arg12[%swap3A_431, %swap3A_432] {strides = array<i32>} : memref<200x64xf32, #tpu.memory_space<vmem>>, vector<1x16xf32>,
        %swap3A_434 = vector.shape_cast %swap3A_433 : vector<1x16xf32> to vector<16xf32>
        %swap3A_435 = vector.shape_cast %add3A_430 : vector<16xf32> to vector<1x16xf32>
        tpu.vector_store %arg12[%swap3A_431, %swap3A_432], %swap3A_435 {strides = array<i32>} : memref<200x64xf32, #tpu.memory_space<vmem>>, vector<1x16xf32>,
        %scan3A_436 = arith.constant 0 : i32
        scf.yield %scan3A_436 : i32
      }
      %scan3A_177 = arith.constant 50 : i32
      %lt3A_178 = arith.constant 7 : i32
      %lt3A_179 = arith.cmpi slt, %scan3A_95, %lt3A_178 : i32
      %convert_element_type3A_180 = arith.extui %lt3A_179 : i1 to i32
      %cond3A_181 = arith.constant 0 : i32
      %cond3A_182 = arith.cmpi ne, %convert_element_type3A_180, %cond3A_181 : i32
      scf.if %cond3A_182 {
        %add3A_228 = arith.constant 4 : i32
        %add3A_229 = arith.addi %add3A_164, %add3A_228 : i32
        %mul3A_230 = arith.constant 2 : i32
        %mul3A_231 = arith.muli %mul3A_230, %add3A_229 : i32
        %dma_start3A_232 = arith.constant 0 : i32
        %dma_start3A_233 = arith.constant 0 : i32
        %dma_start3A_234 = tpu.memref_slice %arg10[%dma_start3A_232, %dma_start3A_233] : memref<200x64xf32, #tpu.memory_space<vmem>> -> memref<100x64xf32, #tpu.memory_space<vmem>>
        %dma_start3A_235 = arith.constant 0 : i32
        %dma_start3A_236 = tpu.memref_slice %arg6[%mul3A_231, %dma_start3A_235] : memref<64x100xi32, #tpu.memory_space<vmem>> -> memref<1x100xi32, #tpu.memory_space<vmem>>
        %dma_start3A_237 = tpu.memref_squeeze %dma_start3A_236 : memref<1x100xi32, #tpu.memory_space<vmem>> -> memref<100xi32, #tpu.memory_space<vmem>>
        %dma_start3A_238 = arith.constant 0 : i32
        %dma_start3A_239 = arith.constant 0 : i32
        %dma_start3A_240 = tpu.memref_slice %arg4[%dma_start3A_238, %dma_start3A_239] : memref<1000000x64xf32, #tpu.memory_space<hbm>> -> memref<1000000x64xf32, #tpu.memory_space<hbm>>
        tpu.enqueue_indirect_dma source(%dma_start3A_240 : memref<1000000x64xf32, #tpu.memory_space<hbm>>) target(%dma_start3A_234 : memref<100x64xf32, #tpu.memory_space<vmem>>) offsets(%dma_start3A_237 : memref<100xi32, #tpu.memory_space<vmem>>) semaphore(%arg16 : memref<!tpu.dma_semaphore, #tpu.memory_space<semaphore_mem>>)
        %mul3A_241 = arith.constant 2 : i32
        %mul3A_242 = arith.muli %mul3A_241, %add3A_229 : i32
        %add3A_243 = arith.constant 1 : i32
        %add3A_244 = arith.addi %mul3A_242, %add3A_243 : i32
        %dma_start3A_245 = arith.constant 100 : i32
        %dma_start3A_246 = arith.constant 0 : i32
        %dma_start3A_247 = tpu.memref_slice %arg10[%dma_start3A_245, %dma_start3A_246] : memref<200x64xf32, #tpu.memory_space<vmem>> -> memref<100x64xf32, #tpu.memory_space<vmem>>
        %dma_start3A_248 = arith.constant 0 : i32
        %dma_start3A_249 = tpu.memref_slice %arg6[%add3A_244, %dma_start3A_248] : memref<64x100xi32, #tpu.memory_space<vmem>> -> memref<1x100xi32, #tpu.memory_space<vmem>>
        %dma_start3A_250 = tpu.memref_squeeze %dma_start3A_249 : memref<1x100xi32, #tpu.memory_space<vmem>> -> memref<100xi32, #tpu.memory_space<vmem>>
        %dma_start3A_251 = arith.constant 0 : i32
        %dma_start3A_252 = arith.constant 0 : i32
        %dma_start3A_253 = tpu.memref_slice %arg4[%dma_start3A_251, %dma_start3A_252] : memref<1000000x64xf32, #tpu.memory_space<hbm>> -> memref<1000000x64xf32, #tpu.memory_space<hbm>>
        tpu.enqueue_indirect_dma source(%dma_start3A_253 : memref<1000000x64xf32, #tpu.memory_space<hbm>>) target(%dma_start3A_247 : memref<100x64xf32, #tpu.memory_space<vmem>>) offsets(%dma_start3A_250 : memref<100xi32, #tpu.memory_space<vmem>>) semaphore(%arg16 : memref<!tpu.dma_semaphore, #tpu.memory_space<semaphore_mem>>)
      } else {
      }
      %dma_wait3A_183 = arith.constant 0 : i32
      %dma_wait3A_184 = tpu.memref_slice %arg5[%mul3A_2, %dma_wait3A_183] : memref<204800x64xf32, #tpu.memory_space<hbm>> -> memref<200x64xf32, #tpu.memory_space<hbm>>
      %dma_wait3A_185 = arith.constant 0 : i32
      %dma_wait3A_186 = tpu.memref_slice %arg5[%mul3A_2, %dma_wait3A_185] : memref<204800x64xf32, #tpu.memory_space<hbm>> -> memref<200x64xf32, #tpu.memory_space<hbm>>
      tpu.wait_dma2 semaphore(%arg18 : memref<!tpu.dma_semaphore, #tpu.memory_space<semaphore_mem>>) src(%arg12 : memref<200x64xf32, #tpu.memory_space<vmem>>) dst(%dma_wait3A_186 : memref<200x64xf32, #tpu.memory_space<hbm>>)
      %mul3A_187 = arith.constant 200 : i32
      %mul3A_188 = arith.muli %add3A_164, %mul3A_187 : i32
      %add3A_189 = arith.addi %mul3A_2, %mul3A_188 : i32
      %dma_start3A_190 = arith.constant 0 : i32
      %dma_start3A_191 = tpu.memref_slice %arg5[%add3A_189, %dma_start3A_190] : memref<204800x64xf32, #tpu.memory_space<hbm>> -> memref<200x64xf32, #tpu.memory_space<hbm>>
      %dma_start3A_192 = arith.constant 0 : i32
      %dma_start3A_193 = tpu.memref_slice %arg5[%add3A_189, %dma_start3A_192] : memref<204800x64xf32, #tpu.memory_space<hbm>> -> memref<200x64xf32, #tpu.memory_space<hbm>>
      tpu.enqueue_dma source(%arg12 : memref<200x64xf32, #tpu.memory_space<vmem>>) target(%dma_start3A_193 : memref<200x64xf32, #tpu.memory_space<hbm>>) target_semaphore(%arg18 : memref<!tpu.dma_semaphore, #tpu.memory_space<semaphore_mem>>)
      %mul3A_194 = arith.constant 4 : i32
      %mul3A_195 = arith.muli %mul3A_194, %scan3A_95 : i32
      %add3A_196 = arith.constant 3 : i32
      %add3A_197 = arith.addi %mul3A_195, %add3A_196 : i32
      %dma_wait3A_198 = arith.constant 0 : i32
      %dma_wait3A_199 = arith.constant 0 : i32
      %dma_wait3A_200 = tpu.memref_slice %arg4[%dma_wait3A_198, %dma_wait3A_199] : memref<1000000x64xf32, #tpu.memory_space<hbm>> -> memref<200x64xf32, #tpu.memory_space<hbm>>
      %dma_wait3A_201 = arith.constant 0 : i32
      %dma_wait3A_202 = arith.constant 0 : i32
      %dma_wait3A_203 = tpu.memref_slice %arg4[%dma_wait3A_201, %dma_wait3A_202] : memref<1000000x64xf32, #tpu.memory_space<hbm>> -> memref<200x64xf32, #tpu.memory_space<hbm>>
      tpu.wait_dma2 semaphore(%arg17 : memref<!tpu.dma_semaphore, #tpu.memory_space<semaphore_mem>>) src(%dma_wait3A_203 : memref<200x64xf32, #tpu.memory_space<hbm>>) dst(%arg11 : memref<200x64xf32, #tpu.memory_space<vmem>>)
      %scan3A_204 = arith.constant 0 : i32
      %scan3A_205 = arith.constant 0 : i32
      %scan3A_206 = arith.constant 50 : i32
      %scan3A_207 = arith.addi %scan3A_205, %scan3A_206 : i32
      %scan3A_208 = arith.constant 1 : i32
      %scan3A_209 = scf.for %scan3A_228 = %scan3A_205 to %scan3A_207 step %scan3A_208 iter_args(%scan3A_229 = %scan3A_204) -> (i32)  : i32 {
        %get3A = arith.index_cast %scan3A_228 : i32 to index
        %get3A_230 = arith.constant 0 : index
        %get3A_231 = tpu.vector_load %arg7[%get3A, %get3A_230] {strides = array<i32>} : memref<50x64xf32, #tpu.memory_space<vmem>>, vector<1x16xf32>,
        %get3A_232 = vector.shape_cast %get3A_231 : vector<1x16xf32> to vector<16xf32>
        %add3A_233 = arith.constant 0 : i32
        %add3A_234 = arith.addi %scan3A_228, %add3A_233 : i32
        %get3A_235 = arith.index_cast %add3A_234 : i32 to index
        %get3A_236 = arith.constant 0 : index
        %get3A_237 = tpu.vector_load %arg11[%get3A_235, %get3A_236] {strides = array<i32>} : memref<200x64xf32, #tpu.memory_space<vmem>>, vector<1x16xf32>,
        %get3A_238 = vector.shape_cast %get3A_237 : vector<1x16xf32> to vector<16xf32>
        %add3A_239 = arith.addf %get3A_238, %get3A_232 : vector<16xf32>
        %swap3A = arith.index_cast %add3A_234 : i32 to index
        %swap3A_240 = arith.constant 0 : index
        %swap3A_241 = tpu.vector_load %arg13[%swap3A, %swap3A_240] {strides = array<i32>} : memref<200x64xf32, #tpu.memory_space<vmem>>, vector<1x16xf32>,
        %swap3A_242 = vector.shape_cast %swap3A_241 : vector<1x16xf32> to vector<16xf32>
        %swap3A_243 = vector.shape_cast %add3A_239 : vector<16xf32> to vector<1x16xf32>
        tpu.vector_store %arg13[%swap3A, %swap3A_240], %swap3A_243 {strides = array<i32>} : memref<200x64xf32, #tpu.memory_space<vmem>>, vector<1x16xf32>,
        %add3A_244 = arith.constant 50 : i32
        %add3A_245 = arith.addi %scan3A_228, %add3A_244 : i32
        %get3A_246 = arith.index_cast %add3A_245 : i32 to index
        %get3A_247 = arith.constant 0 : index
        %get3A_248 = tpu.vector_load %arg11[%get3A_246, %get3A_247] {strides = array<i32>} : memref<200x64xf32, #tpu.memory_space<vmem>>, vector<1x16xf32>,
        %get3A_249 = vector.shape_cast %get3A_248 : vector<1x16xf32> to vector<16xf32>
        %add3A_250 = arith.addf %get3A_249, %get3A_232 : vector<16xf32>
        %swap3A_251 = arith.index_cast %add3A_245 : i32 to index
        %swap3A_252 = arith.constant 0 : index
        %swap3A_253 = tpu.vector_load %arg13[%swap3A_251, %swap3A_252] {strides = array<i32>} : memref<200x64xf32, #tpu.memory_space<vmem>>, vector<1x16xf32>,
        %swap3A_254 = vector.shape_cast %swap3A_253 : vector<1x16xf32> to vector<16xf32>
        %swap3A_255 = vector.shape_cast %add3A_250 : vector<16xf32> to vector<1x16xf32>
        tpu.vector_store %arg13[%swap3A_251, %swap3A_252], %swap3A_255 {strides = array<i32>} : memref<200x64xf32, #tpu.memory_space<vmem>>, vector<1x16xf32>,
        %add3A_256 = arith.constant 100 : i32
        %add3A_257 = arith.addi %scan3A_228, %add3A_256 : i32
        %get3A_258 = arith.index_cast %add3A_257 : i32 to index
        %get3A_259 = arith.constant 0 : index
        %get3A_260 = tpu.vector_load %arg11[%get3A_258, %get3A_259] {strides = array<i32>} : memref<200x64xf32, #tpu.memory_space<vmem>>, vector<1x16xf32>,
        %get3A_261 = vector.shape_cast %get3A_260 : vector<1x16xf32> to vector<16xf32>
        %add3A_262 = arith.addf %get3A_261, %get3A_232 : vector<16xf32>
        %swap3A_263 = arith.index_cast %add3A_257 : i32 to index
        %swap3A_264 = arith.constant 0 : index
        %swap3A_265 = tpu.vector_load %arg13[%swap3A_263, %swap3A_264] {strides = array<i32>} : memref<200x64xf32, #tpu.memory_space<vmem>>, vector<1x16xf32>,
        %swap3A_266 = vector.shape_cast %swap3A_265 : vector<1x16xf32> to vector<16xf32>
        %swap3A_267 = vector.shape_cast %add3A_262 : vector<16xf32> to vector<1x16xf32>
        tpu.vector_store %arg13[%swap3A_263, %swap3A_264], %swap3A_267 {strides = array<i32>} : memref<200x64xf32, #tpu.memory_space<vmem>>, vector<1x16xf32>,
        %add3A_268 = arith.constant 150 : i32
        %add3A_269 = arith.addi %scan3A_228, %add3A_268 : i32
        %get3A_270 = arith.index_cast %add3A_269 : i32 to index
        %get3A_271 = arith.constant 0 : index
        %get3A_272 = tpu.vector_load %arg11[%get3A_270, %get3A_271] {strides = array<i32>} : memref<200x64xf32, #tpu.memory_space<vmem>>, vector<1x16xf32>,
        %get3A_273 = vector.shape_cast %get3A_272 : vector<1x16xf32> to vector<16xf32>
        %add3A_274 = arith.addf %get3A_273, %get3A_232 : vector<16xf32>
        %swap3A_275 = arith.index_cast %add3A_269 : i32 to index
        %swap3A_276 = arith.constant 0 : index
        %swap3A_277 = tpu.vector_load %arg13[%swap3A_275, %swap3A_276] {strides = array<i32>} : memref<200x64xf32, #tpu.memory_space<vmem>>, vector<1x16xf32>,
        %swap3A_278 = vector.shape_cast %swap3A_277 : vector<1x16xf32> to vector<16xf32>
        %swap3A_279 = vector.shape_cast %add3A_274 : vector<16xf32> to vector<1x16xf32>
        tpu.vector_store %arg13[%swap3A_275, %swap3A_276], %swap3A_279 {strides = array<i32>} : memref<200x64xf32, #tpu.memory_space<vmem>>, vector<1x16xf32>,
        %get3A_280 = arith.index_cast %scan3A_228 : i32 to index
        %get3A_281 = arith.constant 16 : index
        %get3A_282 = tpu.vector_load %arg7[%get3A_280, %get3A_281] {strides = array<i32>} : memref<50x64xf32, #tpu.memory_space<vmem>>, vector<1x16xf32>,
        %get3A_283 = vector.shape_cast %get3A_282 : vector<1x16xf32> to vector<16xf32>
        %add3A_284 = arith.constant 0 : i32
        %add3A_285 = arith.addi %scan3A_228, %add3A_284 : i32
        %get3A_286 = arith.index_cast %add3A_285 : i32 to index
        %get3A_287 = arith.constant 16 : index
        %get3A_288 = tpu.vector_load %arg11[%get3A_286, %get3A_287] {strides = array<i32>} : memref<200x64xf32, #tpu.memory_space<vmem>>, vector<1x16xf32>,
        %get3A_289 = vector.shape_cast %get3A_288 : vector<1x16xf32> to vector<16xf32>
        %add3A_290 = arith.addf %get3A_289, %get3A_283 : vector<16xf32>
        %swap3A_291 = arith.index_cast %add3A_285 : i32 to index
        %swap3A_292 = arith.constant 16 : index
        %swap3A_293 = tpu.vector_load %arg13[%swap3A_291, %swap3A_292] {strides = array<i32>} : memref<200x64xf32, #tpu.memory_space<vmem>>, vector<1x16xf32>,
        %swap3A_294 = vector.shape_cast %swap3A_293 : vector<1x16xf32> to vector<16xf32>
        %swap3A_295 = vector.shape_cast %add3A_290 : vector<16xf32> to vector<1x16xf32>
        tpu.vector_store %arg13[%swap3A_291, %swap3A_292], %swap3A_295 {strides = array<i32>} : memref<200x64xf32, #tpu.memory_space<vmem>>, vector<1x16xf32>,
        %add3A_296 = arith.constant 50 : i32
        %add3A_297 = arith.addi %scan3A_228, %add3A_296 : i32
        %get3A_298 = arith.index_cast %add3A_297 : i32 to index
        %get3A_299 = arith.constant 16 : index
        %get3A_300 = tpu.vector_load %arg11[%get3A_298, %get3A_299] {strides = array<i32>} : memref<200x64xf32, #tpu.memory_space<vmem>>, vector<1x16xf32>,
        %get3A_301 = vector.shape_cast %get3A_300 : vector<1x16xf32> to vector<16xf32>
        %add3A_302 = arith.addf %get3A_301, %get3A_283 : vector<16xf32>
        %swap3A_303 = arith.index_cast %add3A_297 : i32 to index
        %swap3A_304 = arith.constant 16 : index
        %swap3A_305 = tpu.vector_load %arg13[%swap3A_303, %swap3A_304] {strides = array<i32>} : memref<200x64xf32, #tpu.memory_space<vmem>>, vector<1x16xf32>,
        %swap3A_306 = vector.shape_cast %swap3A_305 : vector<1x16xf32> to vector<16xf32>
        %swap3A_307 = vector.shape_cast %add3A_302 : vector<16xf32> to vector<1x16xf32>
        tpu.vector_store %arg13[%swap3A_303, %swap3A_304], %swap3A_307 {strides = array<i32>} : memref<200x64xf32, #tpu.memory_space<vmem>>, vector<1x16xf32>,
        %add3A_308 = arith.constant 100 : i32
        %add3A_309 = arith.addi %scan3A_228, %add3A_308 : i32
        %get3A_310 = arith.index_cast %add3A_309 : i32 to index
        %get3A_311 = arith.constant 16 : index
        %get3A_312 = tpu.vector_load %arg11[%get3A_310, %get3A_311] {strides = array<i32>} : memref<200x64xf32, #tpu.memory_space<vmem>>, vector<1x16xf32>,
        %get3A_313 = vector.shape_cast %get3A_312 : vector<1x16xf32> to vector<16xf32>
        %add3A_314 = arith.addf %get3A_313, %get3A_283 : vector<16xf32>
        %swap3A_315 = arith.index_cast %add3A_309 : i32 to index
        %swap3A_316 = arith.constant 16 : index
        %swap3A_317 = tpu.vector_load %arg13[%swap3A_315, %swap3A_316] {strides = array<i32>} : memref<200x64xf32, #tpu.memory_space<vmem>>, vector<1x16xf32>,
        %swap3A_318 = vector.shape_cast %swap3A_317 : vector<1x16xf32> to vector<16xf32>
        %swap3A_319 = vector.shape_cast %add3A_314 : vector<16xf32> to vector<1x16xf32>
        tpu.vector_store %arg13[%swap3A_315, %swap3A_316], %swap3A_319 {strides = array<i32>} : memref<200x64xf32, #tpu.memory_space<vmem>>, vector<1x16xf32>,
        %add3A_320 = arith.constant 150 : i32
        %add3A_321 = arith.addi %scan3A_228, %add3A_320 : i32
        %get3A_322 = arith.index_cast %add3A_321 : i32 to index
        %get3A_323 = arith.constant 16 : index
        %get3A_324 = tpu.vector_load %arg11[%get3A_322, %get3A_323] {strides = array<i32>} : memref<200x64xf32, #tpu.memory_space<vmem>>, vector<1x16xf32>,
        %get3A_325 = vector.shape_cast %get3A_324 : vector<1x16xf32> to vector<16xf32>
        %add3A_326 = arith.addf %get3A_325, %get3A_283 : vector<16xf32>
        %swap3A_327 = arith.index_cast %add3A_321 : i32 to index
        %swap3A_328 = arith.constant 16 : index
        %swap3A_329 = tpu.vector_load %arg13[%swap3A_327, %swap3A_328] {strides = array<i32>} : memref<200x64xf32, #tpu.memory_space<vmem>>, vector<1x16xf32>,
        %swap3A_330 = vector.shape_cast %swap3A_329 : vector<1x16xf32> to vector<16xf32>
        %swap3A_331 = vector.shape_cast %add3A_326 : vector<16xf32> to vector<1x16xf32>
        tpu.vector_store %arg13[%swap3A_327, %swap3A_328], %swap3A_331 {strides = array<i32>} : memref<200x64xf32, #tpu.memory_space<vmem>>, vector<1x16xf32>,
        %get3A_332 = arith.index_cast %scan3A_228 : i32 to index
        %get3A_333 = arith.constant 32 : index
        %get3A_334 = tpu.vector_load %arg7[%get3A_332, %get3A_333] {strides = array<i32>} : memref<50x64xf32, #tpu.memory_space<vmem>>, vector<1x16xf32>,
        %get3A_335 = vector.shape_cast %get3A_334 : vector<1x16xf32> to vector<16xf32>
        %add3A_336 = arith.constant 0 : i32
        %add3A_337 = arith.addi %scan3A_228, %add3A_336 : i32
        %get3A_338 = arith.index_cast %add3A_337 : i32 to index
        %get3A_339 = arith.constant 32 : index
        %get3A_340 = tpu.vector_load %arg11[%get3A_338, %get3A_339] {strides = array<i32>} : memref<200x64xf32, #tpu.memory_space<vmem>>, vector<1x16xf32>,
        %get3A_341 = vector.shape_cast %get3A_340 : vector<1x16xf32> to vector<16xf32>
        %add3A_342 = arith.addf %get3A_341, %get3A_335 : vector<16xf32>
        %swap3A_343 = arith.index_cast %add3A_337 : i32 to index
        %swap3A_344 = arith.constant 32 : index
        %swap3A_345 = tpu.vector_load %arg13[%swap3A_343, %swap3A_344] {strides = array<i32>} : memref<200x64xf32, #tpu.memory_space<vmem>>, vector<1x16xf32>,
        %swap3A_346 = vector.shape_cast %swap3A_345 : vector<1x16xf32> to vector<16xf32>
        %swap3A_347 = vector.shape_cast %add3A_342 : vector<16xf32> to vector<1x16xf32>
        tpu.vector_store %arg13[%swap3A_343, %swap3A_344], %swap3A_347 {strides = array<i32>} : memref<200x64xf32, #tpu.memory_space<vmem>>, vector<1x16xf32>,
        %add3A_348 = arith.constant 50 : i32
        %add3A_349 = arith.addi %scan3A_228, %add3A_348 : i32
        %get3A_350 = arith.index_cast %add3A_349 : i32 to index
        %get3A_351 = arith.constant 32 : index
        %get3A_352 = tpu.vector_load %arg11[%get3A_350, %get3A_351] {strides = array<i32>} : memref<200x64xf32, #tpu.memory_space<vmem>>, vector<1x16xf32>,
        %get3A_353 = vector.shape_cast %get3A_352 : vector<1x16xf32> to vector<16xf32>
        %add3A_354 = arith.addf %get3A_353, %get3A_335 : vector<16xf32>
        %swap3A_355 = arith.index_cast %add3A_349 : i32 to index
        %swap3A_356 = arith.constant 32 : index
        %swap3A_357 = tpu.vector_load %arg13[%swap3A_355, %swap3A_356] {strides = array<i32>} : memref<200x64xf32, #tpu.memory_space<vmem>>, vector<1x16xf32>,
        %swap3A_358 = vector.shape_cast %swap3A_357 : vector<1x16xf32> to vector<16xf32>
        %swap3A_359 = vector.shape_cast %add3A_354 : vector<16xf32> to vector<1x16xf32>
        tpu.vector_store %arg13[%swap3A_355, %swap3A_356], %swap3A_359 {strides = array<i32>} : memref<200x64xf32, #tpu.memory_space<vmem>>, vector<1x16xf32>,
        %add3A_360 = arith.constant 100 : i32
        %add3A_361 = arith.addi %scan3A_228, %add3A_360 : i32
        %get3A_362 = arith.index_cast %add3A_361 : i32 to index
        %get3A_363 = arith.constant 32 : index
        %get3A_364 = tpu.vector_load %arg11[%get3A_362, %get3A_363] {strides = array<i32>} : memref<200x64xf32, #tpu.memory_space<vmem>>, vector<1x16xf32>,
        %get3A_365 = vector.shape_cast %get3A_364 : vector<1x16xf32> to vector<16xf32>
        %add3A_366 = arith.addf %get3A_365, %get3A_335 : vector<16xf32>
        %swap3A_367 = arith.index_cast %add3A_361 : i32 to index
        %swap3A_368 = arith.constant 32 : index
        %swap3A_369 = tpu.vector_load %arg13[%swap3A_367, %swap3A_368] {strides = array<i32>} : memref<200x64xf32, #tpu.memory_space<vmem>>, vector<1x16xf32>,
        %swap3A_370 = vector.shape_cast %swap3A_369 : vector<1x16xf32> to vector<16xf32>
        %swap3A_371 = vector.shape_cast %add3A_366 : vector<16xf32> to vector<1x16xf32>
        tpu.vector_store %arg13[%swap3A_367, %swap3A_368], %swap3A_371 {strides = array<i32>} : memref<200x64xf32, #tpu.memory_space<vmem>>, vector<1x16xf32>,
        %add3A_372 = arith.constant 150 : i32
        %add3A_373 = arith.addi %scan3A_228, %add3A_372 : i32
        %get3A_374 = arith.index_cast %add3A_373 : i32 to index
        %get3A_375 = arith.constant 32 : index
        %get3A_376 = tpu.vector_load %arg11[%get3A_374, %get3A_375] {strides = array<i32>} : memref<200x64xf32, #tpu.memory_space<vmem>>, vector<1x16xf32>,
        %get3A_377 = vector.shape_cast %get3A_376 : vector<1x16xf32> to vector<16xf32>
        %add3A_378 = arith.addf %get3A_377, %get3A_335 : vector<16xf32>
        %swap3A_379 = arith.index_cast %add3A_373 : i32 to index
        %swap3A_380 = arith.constant 32 : index
        %swap3A_381 = tpu.vector_load %arg13[%swap3A_379, %swap3A_380] {strides = array<i32>} : memref<200x64xf32, #tpu.memory_space<vmem>>, vector<1x16xf32>,
        %swap3A_382 = vector.shape_cast %swap3A_381 : vector<1x16xf32> to vector<16xf32>
        %swap3A_383 = vector.shape_cast %add3A_378 : vector<16xf32> to vector<1x16xf32>
        tpu.vector_store %arg13[%swap3A_379, %swap3A_380], %swap3A_383 {strides = array<i32>} : memref<200x64xf32, #tpu.memory_space<vmem>>, vector<1x16xf32>,
        %get3A_384 = arith.index_cast %scan3A_228 : i32 to index
        %get3A_385 = arith.constant 48 : index
        %get3A_386 = tpu.vector_load %arg7[%get3A_384, %get3A_385] {strides = array<i32>} : memref<50x64xf32, #tpu.memory_space<vmem>>, vector<1x16xf32>,
        %get3A_387 = vector.shape_cast %get3A_386 : vector<1x16xf32> to vector<16xf32>
        %add3A_388 = arith.constant 0 : i32
        %add3A_389 = arith.addi %scan3A_228, %add3A_388 : i32
        %get3A_390 = arith.index_cast %add3A_389 : i32 to index
        %get3A_391 = arith.constant 48 : index
        %get3A_392 = tpu.vector_load %arg11[%get3A_390, %get3A_391] {strides = array<i32>} : memref<200x64xf32, #tpu.memory_space<vmem>>, vector<1x16xf32>,
        %get3A_393 = vector.shape_cast %get3A_392 : vector<1x16xf32> to vector<16xf32>
        %add3A_394 = arith.addf %get3A_393, %get3A_387 : vector<16xf32>
        %swap3A_395 = arith.index_cast %add3A_389 : i32 to index
        %swap3A_396 = arith.constant 48 : index
        %swap3A_397 = tpu.vector_load %arg13[%swap3A_395, %swap3A_396] {strides = array<i32>} : memref<200x64xf32, #tpu.memory_space<vmem>>, vector<1x16xf32>,
        %swap3A_398 = vector.shape_cast %swap3A_397 : vector<1x16xf32> to vector<16xf32>
        %swap3A_399 = vector.shape_cast %add3A_394 : vector<16xf32> to vector<1x16xf32>
        tpu.vector_store %arg13[%swap3A_395, %swap3A_396], %swap3A_399 {strides = array<i32>} : memref<200x64xf32, #tpu.memory_space<vmem>>, vector<1x16xf32>,
        %add3A_400 = arith.constant 50 : i32
        %add3A_401 = arith.addi %scan3A_228, %add3A_400 : i32
        %get3A_402 = arith.index_cast %add3A_401 : i32 to index
        %get3A_403 = arith.constant 48 : index
        %get3A_404 = tpu.vector_load %arg11[%get3A_402, %get3A_403] {strides = array<i32>} : memref<200x64xf32, #tpu.memory_space<vmem>>, vector<1x16xf32>,
        %get3A_405 = vector.shape_cast %get3A_404 : vector<1x16xf32> to vector<16xf32>
        %add3A_406 = arith.addf %get3A_405, %get3A_387 : vector<16xf32>
        %swap3A_407 = arith.index_cast %add3A_401 : i32 to index
        %swap3A_408 = arith.constant 48 : index
        %swap3A_409 = tpu.vector_load %arg13[%swap3A_407, %swap3A_408] {strides = array<i32>} : memref<200x64xf32, #tpu.memory_space<vmem>>, vector<1x16xf32>,
        %swap3A_410 = vector.shape_cast %swap3A_409 : vector<1x16xf32> to vector<16xf32>
        %swap3A_411 = vector.shape_cast %add3A_406 : vector<16xf32> to vector<1x16xf32>
        tpu.vector_store %arg13[%swap3A_407, %swap3A_408], %swap3A_411 {strides = array<i32>} : memref<200x64xf32, #tpu.memory_space<vmem>>, vector<1x16xf32>,
        %add3A_412 = arith.constant 100 : i32
        %add3A_413 = arith.addi %scan3A_228, %add3A_412 : i32
        %get3A_414 = arith.index_cast %add3A_413 : i32 to index
        %get3A_415 = arith.constant 48 : index
        %get3A_416 = tpu.vector_load %arg11[%get3A_414, %get3A_415] {strides = array<i32>} : memref<200x64xf32, #tpu.memory_space<vmem>>, vector<1x16xf32>,
        %get3A_417 = vector.shape_cast %get3A_416 : vector<1x16xf32> to vector<16xf32>
        %add3A_418 = arith.addf %get3A_417, %get3A_387 : vector<16xf32>
        %swap3A_419 = arith.index_cast %add3A_413 : i32 to index
        %swap3A_420 = arith.constant 48 : index
        %swap3A_421 = tpu.vector_load %arg13[%swap3A_419, %swap3A_420] {strides = array<i32>} : memref<200x64xf32, #tpu.memory_space<vmem>>, vector<1x16xf32>,
        %swap3A_422 = vector.shape_cast %swap3A_421 : vector<1x16xf32> to vector<16xf32>
        %swap3A_423 = vector.shape_cast %add3A_418 : vector<16xf32> to vector<1x16xf32>
        tpu.vector_store %arg13[%swap3A_419, %swap3A_420], %swap3A_423 {strides = array<i32>} : memref<200x64xf32, #tpu.memory_space<vmem>>, vector<1x16xf32>,
        %add3A_424 = arith.constant 150 : i32
        %add3A_425 = arith.addi %scan3A_228, %add3A_424 : i32
        %get3A_426 = arith.index_cast %add3A_425 : i32 to index
        %get3A_427 = arith.constant 48 : index
        %get3A_428 = tpu.vector_load %arg11[%get3A_426, %get3A_427] {strides = array<i32>} : memref<200x64xf32, #tpu.memory_space<vmem>>, vector<1x16xf32>,
        %get3A_429 = vector.shape_cast %get3A_428 : vector<1x16xf32> to vector<16xf32>
        %add3A_430 = arith.addf %get3A_429, %get3A_387 : vector<16xf32>
        %swap3A_431 = arith.index_cast %add3A_425 : i32 to index
        %swap3A_432 = arith.constant 48 : index
        %swap3A_433 = tpu.vector_load %arg13[%swap3A_431, %swap3A_432] {strides = array<i32>} : memref<200x64xf32, #tpu.memory_space<vmem>>, vector<1x16xf32>,
        %swap3A_434 = vector.shape_cast %swap3A_433 : vector<1x16xf32> to vector<16xf32>
        %swap3A_435 = vector.shape_cast %add3A_430 : vector<16xf32> to vector<1x16xf32>
        tpu.vector_store %arg13[%swap3A_431, %swap3A_432], %swap3A_435 {strides = array<i32>} : memref<200x64xf32, #tpu.memory_space<vmem>>, vector<1x16xf32>,
        %scan3A_436 = arith.constant 0 : i32
        scf.yield %scan3A_436 : i32
      }
      %scan3A_210 = arith.constant 50 : i32
      %lt3A_211 = arith.constant 7 : i32
      %lt3A_212 = arith.cmpi slt, %scan3A_95, %lt3A_211 : i32
      %convert_element_type3A_213 = arith.extui %lt3A_212 : i1 to i32
      %cond3A_214 = arith.constant 0 : i32
      %cond3A_215 = arith.cmpi ne, %convert_element_type3A_213, %cond3A_214 : i32
      scf.if %cond3A_215 {
        %add3A_228 = arith.constant 4 : i32
        %add3A_229 = arith.addi %add3A_197, %add3A_228 : i32
        %mul3A_230 = arith.constant 2 : i32
        %mul3A_231 = arith.muli %mul3A_230, %add3A_229 : i32
        %dma_start3A_232 = arith.constant 0 : i32
        %dma_start3A_233 = arith.constant 0 : i32
        %dma_start3A_234 = tpu.memref_slice %arg11[%dma_start3A_232, %dma_start3A_233] : memref<200x64xf32, #tpu.memory_space<vmem>> -> memref<100x64xf32, #tpu.memory_space<vmem>>
        %dma_start3A_235 = arith.constant 0 : i32
        %dma_start3A_236 = tpu.memref_slice %arg6[%mul3A_231, %dma_start3A_235] : memref<64x100xi32, #tpu.memory_space<vmem>> -> memref<1x100xi32, #tpu.memory_space<vmem>>
        %dma_start3A_237 = tpu.memref_squeeze %dma_start3A_236 : memref<1x100xi32, #tpu.memory_space<vmem>> -> memref<100xi32, #tpu.memory_space<vmem>>
        %dma_start3A_238 = arith.constant 0 : i32
        %dma_start3A_239 = arith.constant 0 : i32
        %dma_start3A_240 = tpu.memref_slice %arg4[%dma_start3A_238, %dma_start3A_239] : memref<1000000x64xf32, #tpu.memory_space<hbm>> -> memref<1000000x64xf32, #tpu.memory_space<hbm>>
        tpu.enqueue_indirect_dma source(%dma_start3A_240 : memref<1000000x64xf32, #tpu.memory_space<hbm>>) target(%dma_start3A_234 : memref<100x64xf32, #tpu.memory_space<vmem>>) offsets(%dma_start3A_237 : memref<100xi32, #tpu.memory_space<vmem>>) semaphore(%arg17 : memref<!tpu.dma_semaphore, #tpu.memory_space<semaphore_mem>>)
        %mul3A_241 = arith.constant 2 : i32
        %mul3A_242 = arith.muli %mul3A_241, %add3A_229 : i32
        %add3A_243 = arith.constant 1 : i32
        %add3A_244 = arith.addi %mul3A_242, %add3A_243 : i32
        %dma_start3A_245 = arith.constant 100 : i32
        %dma_start3A_246 = arith.constant 0 : i32
        %dma_start3A_247 = tpu.memref_slice %arg11[%dma_start3A_245, %dma_start3A_246] : memref<200x64xf32, #tpu.memory_space<vmem>> -> memref<100x64xf32, #tpu.memory_space<vmem>>
        %dma_start3A_248 = arith.constant 0 : i32
        %dma_start3A_249 = tpu.memref_slice %arg6[%add3A_244, %dma_start3A_248] : memref<64x100xi32, #tpu.memory_space<vmem>> -> memref<1x100xi32, #tpu.memory_space<vmem>>
        %dma_start3A_250 = tpu.memref_squeeze %dma_start3A_249 : memref<1x100xi32, #tpu.memory_space<vmem>> -> memref<100xi32, #tpu.memory_space<vmem>>
        %dma_start3A_251 = arith.constant 0 : i32
        %dma_start3A_252 = arith.constant 0 : i32
        %dma_start3A_253 = tpu.memref_slice %arg4[%dma_start3A_251, %dma_start3A_252] : memref<1000000x64xf32, #tpu.memory_space<hbm>> -> memref<1000000x64xf32, #tpu.memory_space<hbm>>
        tpu.enqueue_indirect_dma source(%dma_start3A_253 : memref<1000000x64xf32, #tpu.memory_space<hbm>>) target(%dma_start3A_247 : memref<100x64xf32, #tpu.memory_space<vmem>>) offsets(%dma_start3A_250 : memref<100xi32, #tpu.memory_space<vmem>>) semaphore(%arg17 : memref<!tpu.dma_semaphore, #tpu.memory_space<semaphore_mem>>)
      } else {
      }
      %dma_wait3A_216 = arith.constant 0 : i32
      %dma_wait3A_217 = tpu.memref_slice %arg5[%mul3A_2, %dma_wait3A_216] : memref<204800x64xf32, #tpu.memory_space<hbm>> -> memref<200x64xf32, #tpu.memory_space<hbm>>
      %dma_wait3A_218 = arith.constant 0 : i32
      %dma_wait3A_219 = tpu.memref_slice %arg5[%mul3A_2, %dma_wait3A_218] : memref<204800x64xf32, #tpu.memory_space<hbm>> -> memref<200x64xf32, #tpu.memory_space<hbm>>
      tpu.wait_dma2 semaphore(%arg19 : memref<!tpu.dma_semaphore, #tpu.memory_space<semaphore_mem>>) src(%arg13 : memref<200x64xf32, #tpu.memory_space<vmem>>) dst(%dma_wait3A_219 : memref<200x64xf32, #tpu.memory_space<hbm>>)
      %mul3A_220 = arith.constant 200 : i32
      %mul3A_221 = arith.muli %add3A_197, %mul3A_220 : i32
      %add3A_222 = arith.addi %mul3A_2, %mul3A_221 : i32
      %dma_start3A_223 = arith.constant 0 : i32
      %dma_start3A_224 = tpu.memref_slice %arg5[%add3A_222, %dma_start3A_223] : memref<204800x64xf32, #tpu.memory_space<hbm>> -> memref<200x64xf32, #tpu.memory_space<hbm>>
      %dma_start3A_225 = arith.constant 0 : i32
      %dma_start3A_226 = tpu.memref_slice %arg5[%add3A_222, %dma_start3A_225] : memref<204800x64xf32, #tpu.memory_space<hbm>> -> memref<200x64xf32, #tpu.memory_space<hbm>>
      tpu.enqueue_dma source(%arg13 : memref<200x64xf32, #tpu.memory_space<vmem>>) target(%dma_start3A_226 : memref<200x64xf32, #tpu.memory_space<hbm>>) target_semaphore(%arg19 : memref<!tpu.dma_semaphore, #tpu.memory_space<semaphore_mem>>)
      %scan3A_227 = arith.constant 0 : i32
      scf.yield %scan3A_227 : i32
    }
    %scan3A_87 = arith.constant 8 : i32
    %dma_wait3A = arith.constant 0 : i32
    %dma_wait3A_88 = tpu.memref_slice %arg5[%mul3A_2, %dma_wait3A] : memref<204800x64xf32, #tpu.memory_space<hbm>> -> memref<200x64xf32, #tpu.memory_space<hbm>>
    %dma_wait3A_89 = arith.constant 0 : i32
    %dma_wait3A_90 = tpu.memref_slice %arg5[%mul3A_2, %dma_wait3A_89] : memref<204800x64xf32, #tpu.memory_space<hbm>> -> memref<200x64xf32, #tpu.memory_space<hbm>>
    tpu.wait_dma2 semaphore(%arg18 : memref<!tpu.dma_semaphore, #tpu.memory_space<semaphore_mem>>) src(%arg12 : memref<200x64xf32, #tpu.memory_space<vmem>>) dst(%dma_wait3A_90 : memref<200x64xf32, #tpu.memory_space<hbm>>)
    %dma_wait3A_91 = arith.constant 0 : i32
    %dma_wait3A_92 = tpu.memref_slice %arg5[%mul3A_2, %dma_wait3A_91] : memref<204800x64xf32, #tpu.memory_space<hbm>> -> memref<200x64xf32, #tpu.memory_space<hbm>>
    %dma_wait3A_93 = arith.constant 0 : i32
    %dma_wait3A_94 = tpu.memref_slice %arg5[%mul3A_2, %dma_wait3A_93] : memref<204800x64xf32, #tpu.memory_space<hbm>> -> memref<200x64xf32, #tpu.memory_space<hbm>>
    tpu.wait_dma2 semaphore(%arg19 : memref<!tpu.dma_semaphore, #tpu.memory_space<semaphore_mem>>) src(%arg13 : memref<200x64xf32, #tpu.memory_space<vmem>>) dst(%dma_wait3A_94 : memref<200x64xf32, #tpu.memory_space<hbm>>)
    return
  }
}

</mosaic_0001>

<sc_bundles>
// kernel: _embed.3.cloned.1.call-start
scs
__scs_entry_jumppad:
0x0: {  	(pc) =	sbr.rel $0x88, $3  }
0x1: {  	(tag) =	ssettag $0x0;
	lr =	simm.s32 $0x1  }
0x2: {  	[smem:$0x3F9E] =	sst lr;
	_ =	strace $0xD0000000  }
0x3: {  	_ = 	snop  }
0x4: {  	_ = 	snop  }
0x5: {  	_ = 	snop  }
0x6: {  	_ = 	snop  }
0x7: {  	_ = 	snop  }
__scs_overlays_trampoline_lowered:
0x8: {  	[smem:$0x3FAD] =	sst s0  }
0x9: {  	[smem:$0x3FAE] =	sst s1  }
0xa: {  	[smem:$0x3FAF] =	sst s2  }
0xb: {  	[smem:$0x3FB0] =	sst s3  }
0xc: {  	[smem:$0x3FB1] =	sst s4  }
0xd: {  	[smem:$0x3FB2] =	sst s5  }
0xe: {  	[smem:$0x3FB3] =	sst s6  }
0xf: {  	[smem:$0x3FB4] =	sst s7  }
0x10: {  	[smem:$0x3FB5] =	sst s8  }
0x11: {  	[smem:$0x3FB6] =	sst s9;
	s0 =	simm.s32 @!p0 $0x0  }
0x12: {  	s1 =	sld [smem:$0x3F9C];
	s0 =	simm.s32 @p0 $0x1  }
0x13: {  	[smem:$0x3FB7] =	sst s0;
	s0 =	simm.s32 @!p1 $0x0  }
0x14: {  	s2 =	sld [smem:$0x3F9B];
	s0 =	simm.s32 @p1 $0x1  }
0x15: {  	[smem:$0x3FB8] =	sst s0;
	s0 =	simm.s32 @!p2 $0x0  }
0x16: {  	s3 =	sld [smem:$0x3FDB];
	s0 =	simm.s32 @p2 $0x1  }
0x17: {  	s4 =	simm.s32 $0x1BF5;
	[smem:$0x3FBA] =	sst s0  }
0x18: {  	s0 =	sld [smem:$0x3F9D];
	_ =	swait.ge [sflag:s4], $0x0  }
0x19: {  	s7 =	sld [smem:$0x3F9E]  }
0x1a: {  	s8 =	sadd.s32 $0xFFFFE003, lr  }
0x1b: {  	s9 =	sadd.s32 $0xFFFFFEF7, lr;
	s5 =	simm.s32 $0xFFFFFFFF;
	p2 =	slt.u32 s8, $0xFFFFF086  }
0x1c: {  	p1 =	slt.u32 s9, $0xF7A;
	s5 =	simm.s32 @!p2 $0x0  }
0x1d: {  	s5 =	simm.s32 @p1 $0x1;
	p0 =	seq.s32 s7, s2  }
0x1e: {  	s7 =	smul.u32 @!p0 $0xF7A, s2;
	p2 =	seq.s32 @!p0 s5, $0x0  }
0x1f: {  	s9 =	smul.u32 $0xF7A, s1;
	s8 =	simm.s32 @!p0 $0x1BF5;
	p2 =	por !p2, p0  }
0x20: {  	[sflag:s8] =	ssyncset.s32 @!p0 $0xFFFFF086;
	s6 =	sadd.s32 @!p0 s3, s7;
	s7 =	simm.s32 @!p0 $0x108  }
0x21: {  	s3 =	sadd.s32 s3, s9;
	s6 =	sadd.s32 @!p0 $0x88, s6;
	s7 =	simm.s32 @p2 $0x1082  }
0x22: {  	[simem:s7], [sflag:s8] =	dma.local @!p0 [hbm:s6], $0xF7A  }
0x23: {  	s9 =	sor.u32 $0xD0000000, s2;
	s6 =	simm.s32 $0x108;
	_ =	swait.ge @!p0 [sflag:s8], $0x0  }
0x24: {  	s3 =	sadd.s32 $0x88, s3;
	s6 =	simm.s32 @!p1 $0x1082;
	[sflag:s4] =	ssyncset.s32 $0xFFFFF086  }
0x25: {  	[simem:s6], [sflag:s4] =	dma.local [hbm:s3], $0xF7A  }
0x26: {  	[smem:$0x3F9E] =	sst s1;
	(tag) =	ssettag s2;
	_ =	strace s9  }
0x27: {  	s1 =	sld [smem:$0x3FAE]  }
0x28: {  	s2 =	sld [smem:$0x3FAF]  }
0x29: {  	s4 =	sld [smem:$0x3FB1]  }
0x2a: {  	p0 =	seq.s32 s5, $0x0;
	s5 =	sld [smem:$0x3FB2]  }
0x2b: {  	s6 =	sld [smem:$0x3FB3]  }
0x2c: {  	s7 =	sld [smem:$0x3FB4]  }
0x2d: {  	s3 =	simm.s32 $0x108;
	s8 =	sld [smem:$0x3FB5]  }
0x2e: {  	s3 =	simm.s32 @!p0 $0x1082;
	s9 =	sld [smem:$0x3FB6]  }
0x2f: {  	lr =	sadd.s32 s0, s3;
	s0 =	sld [smem:$0x3FAD]  }
0x30: {  	s3 =	sld [smem:$0x3FB0]  }
0x31: {  	[smem:$0x3FB9] =	sst s10  }
0x32: {  	s10 =	sld [smem:$0x3FB7];
	_ =	sdelay $0x3  }
0x33: {  	p0 =	seq.s32 s10, $0x1;
	s10 =	sld [smem:$0x3FB9];
	_ =	sdelay $0x3  }
0x34: {  	[smem:$0x3FB9] =	sst s10  }
0x35: {  	s10 =	sld [smem:$0x3FB8];
	_ =	sdelay $0x3  }
0x36: {  	p1 =	seq.s32 s10, $0x1;
	s10 =	sld [smem:$0x3FB9];
	_ =	sdelay $0x3  }
0x37: {  	[smem:$0x3FB9] =	sst s10  }
0x38: {  	s10 =	sld [smem:$0x3FBA]  }
0x39: {  	_ = 	snop;
	(pc) =	sbr.ind lr, $3  }
0x3a: {  	_ = 	snop  }
0x3b: {  	_ = 	snop  }
0x3c: {  	p2 =	seq.s32 s10, $0x1;
	s10 =	sld [smem:$0x3FB9]  }
0x3d: {  	_ =	shalt  }
0x3e: {  	_ =	shalt  }
0x3f: {  	_ =	shalt  }
0x40: {  	_ =	shalt  }
0x41: {  	_ =	shalt  }
0x42: {  	_ =	shalt  }
0x43: {  	_ =	shalt  }
0x44: {  	_ =	shalt  }
0x45: {  	_ =	shalt  }
0x46: {  	_ =	shalt  }
0x47: {  	_ =	shalt  }
0x48: {  	_ =	shalt  }
0x49: {  	_ =	shalt  }
0x4a: {  	_ =	shalt  }
0x4b: {  	_ =	shalt  }
0x4c: {  	_ =	shalt  }
0x4d: {  	_ =	shalt  }
0x4e: {  	_ =	shalt  }
0x4f: {  	_ =	shalt  }
0x50: {  	_ =	shalt  }
0x51: {  	_ =	shalt  }
0x52: {  	_ =	shalt  }
0x53: {  	_ =	shalt  }
0x54: {  	_ =	shalt  }
0x55: {  	_ =	shalt  }
0x56: {  	_ =	shalt  }
0x57: {  	_ =	shalt  }
0x58: {  	_ =	shalt  }
0x59: {  	_ =	shalt  }
0x5a: {  	_ =	shalt  }
0x5b: {  	_ =	shalt  }
0x5c: {  	_ =	shalt  }
0x5d: {  	_ =	shalt  }
0x5e: {  	_ =	shalt  }
0x5f: {  	_ =	shalt  }
0x60: {  	_ =	shalt  }
0x61: {  	_ =	shalt  }
0x62: {  	_ =	shalt  }
0x63: {  	_ =	shalt  }
0x64: {  	_ =	shalt  }
0x65: {  	_ =	shalt  }
0x66: {  	_ =	shalt  }
0x67: {  	_ =	shalt  }
0x68: {  	_ =	shalt  }
0x69: {  	_ =	shalt  }
0x6a: {  	_ =	shalt  }
0x6b: {  	_ =	shalt  }
0x6c: {  	_ =	shalt  }
0x6d: {  	_ =	shalt  }
0x6e: {  	_ =	shalt  }
0x6f: {  	_ =	shalt  }
0x70: {  	_ =	shalt  }
0x71: {  	_ =	shalt  }
0x72: {  	_ =	shalt  }
0x73: {  	_ =	shalt  }
0x74: {  	_ =	shalt  }
0x75: {  	_ =	shalt  }
0x76: {  	_ =	shalt  }
0x77: {  	_ =	shalt  }
0x78: {  	_ =	shalt  }
0x79: {  	_ =	shalt  }
0x7a: {  	_ =	shalt  }
0x7b: {  	_ =	shalt  }
0x7c: {  	_ =	shalt  }
0x7d: {  	_ =	shalt  }
0x7e: {  	_ =	shalt  }
0x7f: {  	_ =	shalt  }
0x80: {  	_ =	shalt  }
0x81: {  	_ =	shalt  }
0x82: {  	_ =	shalt  }
0x83: {  	_ =	shalt  }
0x84: {  	_ =	shalt  }
0x85: {  	_ =	shalt  }
0x86: {  	_ =	shalt  }
0x87: {  	_ =	shalt  }
.Lfunc_end0:
.L_simem_size_0:
called_computation.1_lowered:
.L_overlay_start_0:
0x88: {  	s2 =	sld [smem:$0x3FD9]  }
0x89: {  	s3 =	sld [smem:$0x3FFE];
	_ =	sdelay $0x1  }
0x8a: {  	s1 =	srdreg.scid  }
0x8b: {  	s0 =	sand.u32 $0x1, s1  }
0x8c: {  	s17 =	sshll.u32 s0, $0xA;
	s2 =	sadd.s32 s3, s2  }
0x8d: {  	s2 =	sadd.s32 s2, s17  }
0x8e: {  	[smem:$0x3FC5] =	sst s2  }
0x8f: {  	_ = 	snop  }
0x90: {  	s2 =	sld [smem:$0x3FD0];
	(tm) =	ssettm $0x1  }
0x91: {  	s18 =	sld [smem:$0x3FFB];
	_ =	sdelay $0x3  }
0x92: {  	_ =	strace s18  }
0x93: {  	s3 =	sld [smem:$0x3FFC];
	_ =	sdelay $0x3  }
0x94: {  	_ =	strace s3  }
0x95: {  	s3 =	sld [smem:$0x3FFD];
	_ =	sdelay $0x3  }
0x96: {  	_ =	strace s3  }
0x97: {  	_ =	strace $0x8FFFFFFF  }
0x98: {  	s19 =	sld [smem:$0x3FDB];
	_ =	sdelay $0x1  }
0x99: {  	s4 =	simm.s32 $_scs_section_size  }
0x9a: {  	s5 =	simm.s32 $_size__tile_overlayer_lowered;
	s6 =	simm.s32 $_tile_overlayer_lowered  }
0x9b: {  	s22 =	simm.s32 $0x1BFF;
	s21 =	sshll.u32 s6, $0x1;
	s3 =	sadd.s32 s4, s19  }
0x9c: {  	s7 =	simm.s32 $0x0;
	s20 =	sshll.u32 s5, $0x1;
	s5 =	sadd.s32 s21, s3  }
0x9d: {  	[timem:s7], [sflag:s22] =	dma.local [hbm:s5], s20  }
0x9e: {  	_ =	swait.ge [sflag:s22], s20  }
0x9f: {  	s4 =	ssub.s32 $0x0, s20;
	[sflag:s22] =	ssyncset.done $0x0  }
0xa0: {  	[sflag:s22] =	ssyncadd.s32 s4;
	_ =	sdelay $0x1  }
0xa1: {  	s23 =	simm.s32 $0x1B8B  }
0xa2: {  	_ =	swait.ge [sflag:s23], $0x1  }
0xa3: {  	[sflag:s23] =	ssyncset.done $0x0  }
0xa4: {  	s25 =	simm.s32 $0x1B8E;
	s24 =	sld [smem:$0x3FFE];
	[sflag:s23] =	ssyncadd.s32 $0xFFFFFFFF  }
0xa5: {  	s26 =	simm.s32 $execute0_lowered;
	[smem:$0x3FD2] =	sst s25  }
0xa6: {  	s5 =	sshll.u32 s26, $0x1;
	_ =	strace $0x80000046;
	[dreg:$0x1] =	wrdreg $0xFFFFFFFF  }
0xa7: {  	s28 =	simm.s32 $_size_execute0_lowered;
	s3 =	sadd.s32 s3, s5;
	[dreg:$0x0] =	wrdreg $0x0  }
0xa8: {  	s5 =	sshll.u32 s28, $0x1;
	[dreg:$0x2] =	wrdreg s3  }
0xa9: {  	[dreg:$0x3] =	wrdreg s5  }
0xaa: {  	[dreg:$0x4] =	wrdreg $0xC0  }
0xab: {  	_ =	task [dreg:s7], $0x5FFFF  }
0xac: {  	[dreg:$0x1] =	wrdreg $0xFFFFFFFF  }
0xad: {  	[dreg:$0x0] =	wrdreg $0x60  }
0xae: {  	[dreg:$0x2] =	wrdreg s24  }
0xaf: {  	[dreg:$0x3] =	wrdreg s2  }
0xb0: {  	[dreg:$0x4] =	wrdreg $0x9  }
0xb1: {  	_ =	task.clear_ibuf [dreg:s7], $0x5FFFF;
	_ =	strace $0x90000046  }
0xb2: {  	s29 =	simm.s32 $0x9;
	_ =	strace $0x80000048  }
0xb3: {  	_ =	swait.ge [sflag:s29], $0x1  }
0xb4: {  	[sflag:s29] =	ssyncadd.s32 $0xFFFFFFFF  }
0xb5: {  	_ =	strace $0x90000048  }
0xb6: {  	_ =	sfence  }
0xb7: {  	s30 =	sld [smem:$0x0];
	_ =	sdelay $0x2  }
0xb8: {  	s31 =	sshll.u32 s1, $0xD;
	s1 =	sshrl.u32 s1, $0x2  }
0xb9: {  	s3 =	sand.u32 $0x4000, s31;
	s1 =	sadd.s32 s1, s30  }
0xba: {  	s0 =	sor.u32 s3, s0;
	s1 =	sshll.u32 s1, $0x11  }
0xbb: {  	s0 =	sor.u32 s1, s0  }
0xbc: {  	s0 =	sadd.s32 $0x8F2B, s0  }
0xbd: {  	[sflag:s0] =	ssyncadd.remote.s32 $0x1  }
0xbe: {  	_ =	sfence.sel $0xFFFF  }
0xbf: {  	[dreg:$0x0] =	wrdreg $0xFFFFFFFF;
	(pc) =	sbr.abs _section_cstart, $3  }
0xc0: {  	[dreg:$0x1] =	wrdreg $0xFFFFFFFF  }
0xc1: {  	_ =	task.clear_ibuf [dreg:s7], $0x2FFFF;
	_ =	strace $0x9FFFFFFF  }
0xc2: {  	(tm) =	ssettm $0x7FFFFFFF  }
0xc3: {  	_ =	shalt  }
tec
execute0_lowered:
.L_overlay_start_1:
0x0: {  	(tag) =	ssettag $0x1  }
0x1: {  	s0 =	rddreg [dreg:$0x0];
	s1 =	srdreg.scid  }
0x2: {  	s3 =	stileid.u32;
	s2 =	rddreg [dreg:$0x1];
	s12 =	simm.s32 $0x7  }
0x3: {  	s14 =	simm.s32 $0x64;
	s28 =	simm.s32 $0xBC80;
	s29 =	simm.s32 $0x2D8  }
0x4: {  	s30 =	simm.s32 $0xD580;
	s31 =	simm.s32 $0x1;
	s13 =	simm.s32 $0x12080  }
0x5: {  	s15 =	simm.s32 $0x3;
	s16 =	simm.s32 $0x5;
	s17 =	simm.s32 $0x4  }
0x6: {  	s18 =	simm.s32 $0x6;
	s1 =	sand.u32 $0x1, s1;
	s4 =	sshll.u32 s3, $0x1  }
0x7: {  	s19 =	simm.s32 $0x0;
	s3 =	simm.s32 $0x0;
	s4 =	sor.u32 s1, s4  }
0x8: {  	s6 =	sadd.s32 $0xF43000, s0;
	[smem:$0x7FF] =	sst s3;
	s5 =	smul.u32 $0x340, s4  }
0x9: {  	s1 =	ssub.s32 $0x2, s1;
	_ =	strace $0x80000047;
	s4 =	smul.u32 $0x1900, s4  }
0xa: {  	s26 =	sshrl.u32 s1, $0x1;
	s7 =	sadd.s32 s5, s0;
	s5 =	sadd.s32 $0x7400, s0  }
0xb: {  	s0 =	ssub.s32 s1, s26;
	s8 =	sor.u32 $0xC8, s4;
	s9 =	sadd.s32 $0x190, s4  }
0xc: {  	s10 =	sadd.s32 $0x258, s4;
	s26 =	simm.s32 $0x270;
	s1 =	simm.s32 $0xEE80  }
0xd: {  	s7 =	sadd.s32 $0xC00, s7;
	s11 =	smax.u32 s0, $0x1;
	s0 =	simm.s32 $0x2  }
.LBB2_1:
0xe: {  	[tilespmem:s3], [sflag:$0x7] =	stream.linear.gather [hbm4b:s7+s3], $0x1A00, $0x38;
	[tilespmem:$0x15280] =	vst v63  }
0xf: {  	_ =	swait.ge [sflag:s12], $0x1A00  }
0x10: {  	[sflag:s12] =	ssyncset.done $0x0  }
0x11: {  	s20 =	simm.s32 $0x1A00;
	[sflag:s12] =	ssyncadd.s32 $0xFFFFE600  }
0x12: {  	[tilespmem:s20], [sflag:$0x7] =	stream.linear.gather [hbm4b:s5+s3], $0xC80, $0x38;
	[tilespmem:$0x15280] =	vst v63  }
0x13: {  	_ =	swait.ge [sflag:s12], $0xC80  }
0x14: {  	[sflag:s12] =	ssyncset.done $0x0  }
0x15: {  	s24 =	simm.s32 $0x2680;
	[sflag:s12] =	ssyncadd.s32 $0xFFFFF380  }
0x16: {  	[tilespmem:s24], [sflag:$0x1] =	stream.indirect.gather [hbm4b:s6+s14], $0x40, s3, s14, $0xb8;
	[tilespmem:$0x15280] =	vst v63  }
0x17: {  	s25 =	simm.s32 $0x68;
	s21 =	simm.s32 $0x3F80  }
0x18: {  	[tilespmem:s21], [sflag:$0x1] =	stream.indirect.gather [hbm4b:s6+s14], $0x40, s25, s14, $0xb8;
	[tilespmem:$0x15280] =	vst v63  }
0x19: {  	s22 =	simm.s32 $0xD0;
	s23 =	simm.s32 $0x5880  }
0x1a: {  	[tilespmem:s23], [sflag:$0x2] =	stream.indirect.gather [hbm4b:s6+s14], $0x40, s22, s14, $0xb8;
	[tilespmem:$0x15280] =	vst v63  }
0x1b: {  	s24 =	simm.s32 $0x138;
	s25 =	simm.s32 $0x7180  }
0x1c: {  	[tilespmem:s25], [sflag:$0x2] =	stream.indirect.gather [hbm4b:s6+s14], $0x40, s24, s14, $0xb8;
	[tilespmem:$0x15280] =	vst v63  }
0x1d: {  	s22 =	simm.s32 $0x1A0;
	s23 =	simm.s32 $0x8A80  }
0x1e: {  	[tilespmem:s23], [sflag:$0x3] =	stream.indirect.gather [hbm4b:s6+s14], $0x40, s22, s14, $0xb8;
	[tilespmem:$0x15280] =	vst v63  }
0x1f: {  	s24 =	simm.s32 $0x208;
	s25 =	simm.s32 $0xA380  }
0x20: {  	[tilespmem:s25], [sflag:$0x3] =	stream.indirect.gather [hbm4b:s6+s14], $0x40, s24, s14, $0xb8;
	[tilespmem:$0x15280] =	vst v63  }
0x21: {  	_ = 	snop  }
0x22: {  	[tilespmem:s28], [sflag:$0x4] =	stream.indirect.gather [hbm4b:s6+s14], $0x40, s26, s14, $0xb8;
	[tilespmem:$0x15280] =	vst v63  }
0x23: {  	s20 =	simm.s32 $0x0  }
0x24: {  	[tilespmem:s30], [sflag:$0x4] =	stream.indirect.gather [hbm4b:s6+s14], $0x40, s29, s14, $0xb8;
	[tilespmem:$0x15280] =	vst v63  }
.LBB2_2:
0x25: {  	_ =	swait.ge [sflag:s31], $0x3200  }
0x26: {  	[sflag:s31] =	ssyncset.done $0x0  }
0x27: {  	s21 =	simm.s32 $0x0;
	[sflag:s31] =	ssyncadd.s32 $0xFFFFCE00  }
0x28: {  	v0 =	vld [tilespmem:s21+$0x1A30]  }
0x29: {  	v1 =	vld [tilespmem:s21+$0x4C30]  }
0x2a: {  	v2 =	vld [tilespmem:s21+$0x1A00]  }
0x2b: {  	v3 =	vld [tilespmem:s21+$0x2680]  }
0x2c: {  	v4 =	vld [tilespmem:s21+$0x3300]  }
0x2d: {  	v5 =	vld [tilespmem:s21+$0x3F80]  }
0x2e: {  	v6 =	vld [tilespmem:s21+$0x4C00];
	_ =	sdelay $0x2  }
0x2f: {  	v7 =	vld [tilespmem:s21+$0x1A10];
	v1 =	vadd.f32 v1, v0  }
0x30: {  	v8 =	vld [tilespmem:s21+$0x2690];
	v3 =	vadd.f32 v3, v2;
	v4 =	vadd.f32 v4, v2  }
0x31: {  	v5 =	vadd.f32 v5, v2;
	v6 =	vadd.f32 v6, v2;
	v2 =	vld [tilespmem:s21+$0x1A20]  }
0x32: {  	[tilespmem:s21+$0x11430] =	vst v1;
	v1 =	vld [tilespmem:s21+$0x3310]  }
0x33: {  	[tilespmem:s21+$0xEE80] =	vst v3;
	v3 =	vld [tilespmem:s21+$0x3F90]  }
0x34: {  	[tilespmem:s21+$0xFB00] =	vst v4;
	v4 =	vld [tilespmem:s21+$0x4C10]  }
0x35: {  	[tilespmem:s21+$0x10780] =	vst v5;
	v5 =	vadd.f32 v8, v7;
	v8 =	vld [tilespmem:s21+$0x26A0]  }
0x36: {  	v9 =	vld [tilespmem:s21+$0x3320]  }
0x37: {  	v10 =	vld [tilespmem:s21+$0x3FA0];
	[tilespmem:s21+$0x11400] =	vst v6;
	v1 =	vadd.f32 v1, v7  }
0x38: {  	v6 =	vld [tilespmem:s21+$0x4C20];
	[tilespmem:s21+$0xEE90] =	vst v5;
	v3 =	vadd.f32 v3, v7  }
0x39: {  	v5 =	vld [tilespmem:s21+$0x26B0];
	[tilespmem:s21+$0xFB10] =	vst v1;
	v1 =	vadd.f32 v4, v7  }
0x3a: {  	v8 =	vadd.f32 v8, v2;
	[tilespmem:s21+$0x10790] =	vst v3;
	v3 =	vld [tilespmem:s21+$0x3330]  }
0x3b: {  	s22 =	simm.s32 $0x40;
	v4 =	vld [tilespmem:s21+$0x3FB0];
	v7 =	vadd.f32 v9, v2;
	[tilespmem:s21+$0x11410] =	vst v1  }
0x3c: {  	s23 =	simm.s32 $0x200;
	v1 =	vld [tilespmem:s22+$0x1A30];
	[tilespmem:s21+$0xEEA0] =	vst v8;
	v8 =	vadd.f32 v10, v2  }
.LBB2_3:
0x3d: {  	p0 =	sne.s32 s23, $0x3100;
	v9 =	vld [tilespmem:s22+$0x4C30];
	[tilespmem:s21+$0xFB20] =	vst v7;
	v2 =	vadd.f32 v6, v2  }
0x3e: {  	v6 =	vld [tilespmem:s22+$0x1A00];
	[tilespmem:s21+$0x107A0] =	vst v8;
	v5 =	vadd.f32 v5, v0  }
0x3f: {  	v7 =	vld [tilespmem:s22+$0x2680];
	[tilespmem:s21+$0x11420] =	vst v2;
	v2 =	vadd.f32 v3, v0  }
0x40: {  	v3 =	vld [tilespmem:s22+$0x3300];
	[tilespmem:s21+$0xEEB0] =	vst v5;
	v4 =	vadd.f32 v4, v0  }
0x41: {  	v5 =	vld [tilespmem:s22+$0x3F80];
	[tilespmem:s21+$0xFB30] =	vst v2;
	v0 =	vmov v1  }
0x42: {  	v1 =	vld [tilespmem:s22+$0x4C00];
	v2 =	vadd.f32 v9, v0;
	[tilespmem:s21+$0x107B0] =	vst v4;
	s21 =	smov.u32 s22  }
0x43: {  	v4 =	vld [tilespmem:s21+$0x1A10]  }
0x44: {  	v7 =	vadd.f32 v7, v6;
	v8 =	vld [tilespmem:s21+$0x2690];
	[tilespmem:s21+$0x11430] =	vst v2  }
0x45: {  	v2 =	vadd.f32 v3, v6;
	v3 =	vld [tilespmem:s21+$0x3310]  }
0x46: {  	[tilespmem:s21+$0xEE80] =	vst v7;
	v5 =	vadd.f32 v5, v6;
	v7 =	vld [tilespmem:s21+$0x3F90]  }
0x47: {  	[tilespmem:s21+$0xFB00] =	vst v2;
	v1 =	vadd.f32 v1, v6;
	v6 =	vld [tilespmem:s21+$0x4C10]  }
0x48: {  	[tilespmem:s21+$0x10780] =	vst v5;
	v2 =	vld [tilespmem:s21+$0x1A20]  }
0x49: {  	[tilespmem:s21+$0x11400] =	vst v1;
	v1 =	vadd.f32 v8, v4;
	v8 =	vld [tilespmem:s21+$0x26A0]  }
0x4a: {  	v3 =	vadd.f32 v3, v4;
	v9 =	vld [tilespmem:s21+$0x3320]  }
0x4b: {  	[tilespmem:s21+$0xEE90] =	vst v1;
	v1 =	vadd.f32 v7, v4;
	v10 =	vld [tilespmem:s21+$0x3FA0]  }
.Ltmp0:
0x4c: {  	[tilespmem:s21+$0xFB10] =	vst v3;
	v3 =	vadd.f32 v6, v4;
	v6 =	vld [tilespmem:s21+$0x4C20];
	(pc) =	sbr.rel @p0 .LBB2_3-.Ltmp0, $4  }
0x4d: {  	[tilespmem:s21+$0x10790] =	vst v1;
	v5 =	vld [tilespmem:s21+$0x26B0]  }
0x4e: {  	[tilespmem:s21+$0x11410] =	vst v3;
	v8 =	vadd.f32 v8, v2;
	v3 =	vld [tilespmem:s21+$0x3330]  }
0x4f: {  	s22 =	sshra.s32 s23, $0x2;
	v7 =	vadd.f32 v9, v2;
	v4 =	vld [tilespmem:s21+$0x3FB0]  }
0x50: {  	s23 =	sadd.s32 $0x100, s23;
	v1 =	vld [tilespmem:s22+$0x1A30];
	[tilespmem:s21+$0xEEA0] =	vst v8;
	v8 =	vadd.f32 v10, v2  }
0x51: {  	v9 =	vld [tilespmem:s22+$0x4C30];
	[tilespmem:s21+$0xFB20] =	vst v7;
	v2 =	vadd.f32 v6, v2  }
0x52: {  	v7 =	vld [tilespmem:s22+$0x1A00];
	[tilespmem:s21+$0x107A0] =	vst v8;
	v5 =	vadd.f32 v5, v0  }
0x53: {  	v42 =	vld [tilespmem:s22+$0x2680];
	[tilespmem:s21+$0x11420] =	vst v2;
	v3 =	vadd.f32 v3, v0  }
0x54: {  	v2 =	vld [tilespmem:s22+$0x3300];
	[tilespmem:s21+$0xEEB0] =	vst v5;
	v43 =	vadd.f32 v4, v0  }
0x55: {  	v5 =	vld [tilespmem:s22+$0x3F80];
	[tilespmem:s21+$0xFB30] =	vst v3  }
0x56: {  	v3 =	vld [tilespmem:s22+$0x4C00];
	[tilespmem:s21+$0x107B0] =	vst v43  }
0x57: {  	v45 =	vld [tilespmem:s22+$0x1A10]  }
0x58: {  	v8 =	vld [tilespmem:s22+$0x2690]  }
0x59: {  	v44 =	vadd.f32 v9, v1;
	v46 =	vld [tilespmem:s22+$0x3310]  }
0x5a: {  	v47 =	vld [tilespmem:s22+$0x3F90];
	v6 =	vadd.f32 v42, v7  }
0x5b: {  	v48 =	vld [tilespmem:s22+$0x4C10];
	[tilespmem:s22+$0x11430] =	vst v44;
	v2 =	vadd.f32 v2, v7  }
0x5c: {  	v49 =	vld [tilespmem:s22+$0x1A20];
	[tilespmem:s22+$0xEE80] =	vst v6;
	v5 =	vadd.f32 v5, v7  }
0x5d: {  	v51 =	vld [tilespmem:s22+$0x26A0];
	[tilespmem:s22+$0xFB00] =	vst v2;
	v3 =	vadd.f32 v3, v7  }
0x5e: {  	v52 =	vld [tilespmem:s22+$0x3320];
	[tilespmem:s22+$0x10780] =	vst v5;
	v50 =	vadd.f32 v8, v45  }
0x5f: {  	v53 =	vld [tilespmem:s22+$0x3FA0];
	v0 =	vadd.f32 v46, v45;
	[tilespmem:s22+$0x11400] =	vst v3  }
0x60: {  	v55 =	vld [tilespmem:s22+$0x26B0];
	v6 =	vadd.f32 v47, v45;
	[tilespmem:s22+$0xEE90] =	vst v50  }
0x61: {  	v57 =	vld [tilespmem:s22+$0x3330];
	v2 =	vadd.f32 v48, v45;
	[tilespmem:s22+$0xFB10] =	vst v0  }
0x62: {  	v59 =	vld [tilespmem:s22+$0x3FB0];
	v56 =	vadd.f32 v51, v49;
	[tilespmem:s22+$0x10790] =	vst v6  }
0x63: {  	v54 =	vld [tilespmem:s22+$0x4C20];
	v58 =	vadd.f32 v52, v49;
	[tilespmem:s22+$0x11410] =	vst v2  }
0x64: {  	v60 =	vadd.f32 v53, v49;
	[tilespmem:s22+$0xEEA0] =	vst v56  }
0x65: {  	v61 =	vadd.f32 v55, v1;
	[tilespmem:s22+$0xFB20] =	vst v58  }
0x66: {  	p0 =	seq.s32 s20, $0x7;
	v62 =	vadd.f32 v57, v1;
	[tilespmem:s22+$0x107A0] =	vst v60  }
0x67: {  	p1 =	seq.s32 @!p0 s20, $0x0;
	s21 =	smul.u32 @!p0 $0xD00, s20;
	v63 =	vadd.f32 v59, v1;
	[tilespmem:s22+$0xEEB0] =	vst v61  }
0x68: {  	p1 =	por p0, !p1;
	v0 =	vadd.f32 v54, v49;
	[tilespmem:s22+$0xFB30] =	vst v62  }
.Ltmp1:
0x69: {  	s21 =	sshra.s32 @!p0 s21, $0x2;
	[tilespmem:s22+$0x107B0] =	vst v63;
	(pc) =	sbr.rel @!p1 .LBB2_5-.Ltmp1, $4  }
0x6a: {  	s23 =	simm.s32 @!p0 $0x64;
	s24 =	simm.s32 @!p0 $0x2680;
	[tilespmem:s22+$0x11420] =	vst v0;
	s22 =	sadd.s32 @!p0 $0x340, s21  }
0x6b: {  	[tilespmem:s24], [sflag:$0x1] =	stream.indirect.gather @!p0 [hbm4b:s6+s23], $0x40, s22, s23, $0xb8;
	[tilespmem:$0x15280] =	vst v63  }
0x6c: {  	s22 =	sadd.s32 @!p0 $0x3A8, s21;
	s24 =	simm.s32 @!p0 $0x3F80  }
0x6d: {  	[tilespmem:s24], [sflag:$0x1] =	stream.indirect.gather @!p0 [hbm4b:s6+s23], $0x40, s22, s23, $0xb8;
	[tilespmem:$0x15280] =	vst v63  }
.Ltmp2:
0x6e: {  	(pc) =	sbr.rel .LBB2_7-.Ltmp2, $4  }
0x6f: {  	_ = 	snop  }
0x70: {  	_ =	swait.ge [sflag:s16], $0x3200  }
0x71: {  	[sflag:s16] =	ssyncset.done $0x0  }
0x72: {  	p1 =	por $0x0, $0x0;
	[sflag:s16] =	ssyncadd.s32 $0xFFFFCE00  }
.LBB2_5:
0x73: {  	p1 =	por @!p0 $0x1, $0x1  }
.LBB2_7:
0x74: {  	s22 =	smul.u32 $0x320, s20;
	_ =	sdelay $0x1  }
0x75: {  	s23 =	sadd.s32 s4, s22  }
0x76: {  	s23 =	sshll.u32 s23, $0x3  }
0x77: {  	s24 =	simm.s32 $0x0;
	s23 =	sadd.s32 s2, s23  }
0x78: {  	[hbm4b:s23+s24] =	stream.linear.scatter [tilespmem:s1], [sflag:$0x5], $0x3200, $0x38;
	[tilespmem:$0x15280] =	vst v63  }
0x79: {  	_ =	swait.ge [sflag:s0], $0x3200  }
0x7a: {  	[sflag:s0] =	ssyncset.done $0x0  }
0x7b: {  	s23 =	simm.s32 $0x0;
	[sflag:s0] =	ssyncadd.s32 $0xFFFFCE00  }
0x7c: {  	v0 =	vld [tilespmem:s23+$0x1A30]  }
0x7d: {  	v1 =	vld [tilespmem:s23+$0x7E30]  }
0x7e: {  	v2 =	vld [tilespmem:s23+$0x1A00]  }
0x7f: {  	v3 =	vld [tilespmem:s23+$0x5880]  }
0x80: {  	v4 =	vld [tilespmem:s23+$0x6500]  }
0x81: {  	v5 =	vld [tilespmem:s23+$0x7180]  }
0x82: {  	v6 =	vld [tilespmem:s23+$0x7E00];
	_ =	sdelay $0x2  }
0x83: {  	v7 =	vld [tilespmem:s23+$0x1A10];
	v1 =	vadd.f32 v1, v0  }
0x84: {  	v8 =	vld [tilespmem:s23+$0x5890];
	v3 =	vadd.f32 v3, v2;
	v4 =	vadd.f32 v4, v2  }
0x85: {  	v5 =	vadd.f32 v5, v2;
	v6 =	vadd.f32 v6, v2;
	v2 =	vld [tilespmem:s23+$0x1A20]  }
0x86: {  	[tilespmem:s23+$0x14630] =	vst v1;
	v1 =	vld [tilespmem:s23+$0x6510]  }
0x87: {  	[tilespmem:s23+$0x12080] =	vst v3;
	v3 =	vld [tilespmem:s23+$0x7190]  }
0x88: {  	[tilespmem:s23+$0x12D00] =	vst v4;
	v4 =	vld [tilespmem:s23+$0x7E10]  }
0x89: {  	[tilespmem:s23+$0x13980] =	vst v5;
	v5 =	vadd.f32 v8, v7;
	v8 =	vld [tilespmem:s23+$0x58A0]  }
0x8a: {  	v9 =	vld [tilespmem:s23+$0x6520]  }
0x8b: {  	v10 =	vld [tilespmem:s23+$0x71A0];
	[tilespmem:s23+$0x14600] =	vst v6;
	v1 =	vadd.f32 v1, v7  }
0x8c: {  	v6 =	vld [tilespmem:s23+$0x7E20];
	[tilespmem:s23+$0x12090] =	vst v5;
	v3 =	vadd.f32 v3, v7  }
0x8d: {  	v5 =	vld [tilespmem:s23+$0x58B0];
	[tilespmem:s23+$0x12D10] =	vst v1;
	v1 =	vadd.f32 v4, v7  }
0x8e: {  	v8 =	vadd.f32 v8, v2;
	[tilespmem:s23+$0x13990] =	vst v3;
	v3 =	vld [tilespmem:s23+$0x6530]  }
0x8f: {  	s24 =	simm.s32 $0x40;
	v4 =	vld [tilespmem:s23+$0x71B0];
	v7 =	vadd.f32 v9, v2;
	[tilespmem:s23+$0x14610] =	vst v1  }
0x90: {  	s25 =	simm.s32 $0x200;
	v1 =	vld [tilespmem:s24+$0x1A30];
	[tilespmem:s23+$0x120A0] =	vst v8;
	v8 =	vadd.f32 v10, v2  }
.LBB2_8:
0x91: {  	p2 =	sne.s32 s25, $0x3100;
	v9 =	vld [tilespmem:s24+$0x7E30];
	[tilespmem:s23+$0x12D20] =	vst v7;
	v2 =	vadd.f32 v6, v2  }
0x92: {  	v6 =	vld [tilespmem:s24+$0x1A00];
	[tilespmem:s23+$0x139A0] =	vst v8;
	v5 =	vadd.f32 v5, v0  }
0x93: {  	v7 =	vld [tilespmem:s24+$0x5880];
	[tilespmem:s23+$0x14620] =	vst v2;
	v2 =	vadd.f32 v3, v0  }
0x94: {  	v3 =	vld [tilespmem:s24+$0x6500];
	[tilespmem:s23+$0x120B0] =	vst v5;
	v4 =	vadd.f32 v4, v0  }
0x95: {  	v5 =	vld [tilespmem:s24+$0x7180];
	[tilespmem:s23+$0x12D30] =	vst v2;
	v0 =	vmov v1  }
0x96: {  	v1 =	vld [tilespmem:s24+$0x7E00];
	v2 =	vadd.f32 v9, v0;
	[tilespmem:s23+$0x139B0] =	vst v4;
	s23 =	smov.u32 s24  }
0x97: {  	v4 =	vld [tilespmem:s23+$0x1A10]  }
0x98: {  	v7 =	vadd.f32 v7, v6;
	v8 =	vld [tilespmem:s23+$0x5890];
	[tilespmem:s23+$0x14630] =	vst v2  }
0x99: {  	v2 =	vadd.f32 v3, v6;
	v3 =	vld [tilespmem:s23+$0x6510]  }
0x9a: {  	[tilespmem:s23+$0x12080] =	vst v7;
	v5 =	vadd.f32 v5, v6;
	v7 =	vld [tilespmem:s23+$0x7190]  }
0x9b: {  	[tilespmem:s23+$0x12D00] =	vst v2;
	v1 =	vadd.f32 v1, v6;
	v6 =	vld [tilespmem:s23+$0x7E10]  }
0x9c: {  	[tilespmem:s23+$0x13980] =	vst v5;
	v2 =	vld [tilespmem:s23+$0x1A20]  }
0x9d: {  	[tilespmem:s23+$0x14600] =	vst v1;
	v1 =	vadd.f32 v8, v4;
	v8 =	vld [tilespmem:s23+$0x58A0]  }
0x9e: {  	v3 =	vadd.f32 v3, v4;
	v9 =	vld [tilespmem:s23+$0x6520]  }
0x9f: {  	[tilespmem:s23+$0x12090] =	vst v1;
	v1 =	vadd.f32 v7, v4;
	v10 =	vld [tilespmem:s23+$0x71A0]  }
.Ltmp3:
0xa0: {  	[tilespmem:s23+$0x12D10] =	vst v3;
	v3 =	vadd.f32 v6, v4;
	v6 =	vld [tilespmem:s23+$0x7E20];
	(pc) =	sbr.rel @p2 .LBB2_8-.Ltmp3, $4  }
0xa1: {  	[tilespmem:s23+$0x13990] =	vst v1;
	v5 =	vld [tilespmem:s23+$0x58B0]  }
0xa2: {  	[tilespmem:s23+$0x14610] =	vst v3;
	v8 =	vadd.f32 v8, v2;
	v3 =	vld [tilespmem:s23+$0x6530]  }
0xa3: {  	s24 =	sshra.s32 s25, $0x2;
	v7 =	vadd.f32 v9, v2;
	v4 =	vld [tilespmem:s23+$0x71B0]  }
0xa4: {  	s25 =	sadd.s32 $0x100, s25;
	v1 =	vld [tilespmem:s24+$0x1A30];
	[tilespmem:s23+$0x120A0] =	vst v8;
	v8 =	vadd.f32 v10, v2  }
0xa5: {  	v9 =	vld [tilespmem:s24+$0x7E30];
	[tilespmem:s23+$0x12D20] =	vst v7;
	v2 =	vadd.f32 v6, v2  }
0xa6: {  	v7 =	vld [tilespmem:s24+$0x1A00];
	[tilespmem:s23+$0x139A0] =	vst v8;
	v5 =	vadd.f32 v5, v0  }
0xa7: {  	v6 =	vld [tilespmem:s24+$0x5880];
	[tilespmem:s23+$0x14620] =	vst v2;
	v3 =	vadd.f32 v3, v0  }
0xa8: {  	v2 =	vld [tilespmem:s24+$0x6500];
	[tilespmem:s23+$0x120B0] =	vst v5;
	v0 =	vadd.f32 v4, v0  }
0xa9: {  	v5 =	vld [tilespmem:s24+$0x7180];
	[tilespmem:s23+$0x12D30] =	vst v3  }
0xaa: {  	v3 =	vld [tilespmem:s24+$0x7E00];
	[tilespmem:s23+$0x139B0] =	vst v0  }
0xab: {  	v0 =	vadd.f32 v9, v1;
	v4 =	vld [tilespmem:s24+$0x1A10]  }
0xac: {  	v8 =	vld [tilespmem:s24+$0x5890];
	v6 =	vadd.f32 v6, v7  }
0xad: {  	[tilespmem:s24+$0x14630] =	vst v0;
	v0 =	vld [tilespmem:s24+$0x6510];
	v2 =	vadd.f32 v2, v7  }
0xae: {  	[tilespmem:s24+$0x12080] =	vst v6;
	v6 =	vld [tilespmem:s24+$0x7190];
	v5 =	vadd.f32 v5, v7  }
0xaf: {  	[tilespmem:s24+$0x12D00] =	vst v2;
	v2 =	vld [tilespmem:s24+$0x7E10];
	v3 =	vadd.f32 v3, v7  }
0xb0: {  	v7 =	vld [tilespmem:s24+$0x58A0];
	[tilespmem:s24+$0x13980] =	vst v5  }
0xb1: {  	v5 =	vld [tilespmem:s24+$0x1A20];
	[tilespmem:s24+$0x14600] =	vst v3;
	v3 =	vadd.f32 v8, v4  }
0xb2: {  	v8 =	vld [tilespmem:s24+$0x6520];
	v0 =	vadd.f32 v0, v4  }
0xb3: {  	[tilespmem:s24+$0x12090] =	vst v3;
	v3 =	vld [tilespmem:s24+$0x71A0];
	v6 =	vadd.f32 v6, v4  }
0xb4: {  	[tilespmem:s24+$0x12D10] =	vst v0;
	v0 =	vld [tilespmem:s24+$0x7E20];
	v2 =	vadd.f32 v2, v4  }
0xb5: {  	v4 =	vld [tilespmem:s24+$0x58B0];
	[tilespmem:s24+$0x13990] =	vst v6  }
0xb6: {  	v6 =	vld [tilespmem:s24+$0x6530];
	[tilespmem:s24+$0x14610] =	vst v2;
	v2 =	vadd.f32 v7, v5  }
0xb7: {  	v7 =	vadd.f32 v8, v5;
	v8 =	vld [tilespmem:s24+$0x71B0]  }
0xb8: {  	[tilespmem:s24+$0x120A0] =	vst v2;
	v2 =	vadd.f32 v3, v5  }
0xb9: {  	[tilespmem:s24+$0x12D20] =	vst v7;
	v0 =	vadd.f32 v0, v5  }
0xba: {  	[tilespmem:s24+$0x139A0] =	vst v2;
	v2 =	vadd.f32 v4, v1  }
0xbb: {  	[tilespmem:s24+$0x14620] =	vst v0;
	v0 =	vadd.f32 v6, v1  }
0xbc: {  	v1 =	vadd.f32 v8, v1;
	[tilespmem:s24+$0x120B0] =	vst v2  }
0xbd: {  	[tilespmem:s24+$0x12D30] =	vst v0  }
0xbe: {  	s25 =	simm.s32 @!p0 $0x5880;
	s23 =	sadd.s32 @!p0 $0x410, s21;
	[tilespmem:s24+$0x139B0] =	vst v1;
	s24 =	simm.s32 @!p0 $0x64  }
0xbf: {  	[tilespmem:s25], [sflag:$0x2] =	stream.indirect.gather @!p0 [hbm4b:s6+s24], $0x40, s23, s24, $0xb8;
	[tilespmem:$0x15280] =	vst v63  }
0xc0: {  	s23 =	sadd.s32 @!p0 $0x478, s21;
	s25 =	simm.s32 @!p0 $0x7180  }
0xc1: {  	[tilespmem:s25], [sflag:$0x2] =	stream.indirect.gather @!p0 [hbm4b:s6+s24], $0x40, s23, s24, $0xb8;
	[tilespmem:$0x15280] =	vst v63  }
0xc2: {  	s23 =	simm.s32 @!p1 $0x6;
	s25 =	sadd.s32 s22, s8  }
0xc3: {  	_ =	swait.ge @!p1 [sflag:s23], $0x3200;
	s24 =	sshll.u32 s25, $0x3  }
0xc4: {  	[sflag:s23] =	ssyncset.done @!p1 $0x0;
	s24 =	sand.u32 $0x1FFFFF40, s24  }
0xc5: {  	s25 =	simm.s32 $0x0;
	[sflag:s23] =	ssyncadd.s32 @!p1 $0xFFFFCE00;
	s24 =	sadd.s32 s2, s24  }
0xc6: {  	[hbm4b:s24+s25] =	stream.linear.scatter [tilespmem:s13], [sflag:$0x6], $0x3200, $0x38;
	[tilespmem:$0x15280] =	vst v63  }
0xc7: {  	_ =	swait.ge [sflag:s15], $0x3200  }
0xc8: {  	[sflag:s15] =	ssyncset.done $0x0  }
0xc9: {  	s23 =	simm.s32 $0x0;
	[sflag:s15] =	ssyncadd.s32 $0xFFFFCE00  }
0xca: {  	v0 =	vld [tilespmem:s23+$0x1A30]  }
0xcb: {  	v1 =	vld [tilespmem:s23+$0xB030]  }
0xcc: {  	v2 =	vld [tilespmem:s23+$0x1A00]  }
0xcd: {  	v3 =	vld [tilespmem:s23+$0x8A80]  }
0xce: {  	v4 =	vld [tilespmem:s23+$0x9700]  }
0xcf: {  	v5 =	vld [tilespmem:s23+$0xA380]  }
0xd0: {  	v6 =	vld [tilespmem:s23+$0xB000];
	_ =	sdelay $0x2  }
0xd1: {  	v7 =	vld [tilespmem:s23+$0x1A10];
	v1 =	vadd.f32 v1, v0  }
0xd2: {  	v8 =	vld [tilespmem:s23+$0x8A90];
	v3 =	vadd.f32 v3, v2;
	v4 =	vadd.f32 v4, v2  }
0xd3: {  	v5 =	vadd.f32 v5, v2;
	v6 =	vadd.f32 v6, v2;
	v2 =	vld [tilespmem:s23+$0x1A20]  }
0xd4: {  	[tilespmem:s23+$0x11430] =	vst v1;
	v1 =	vld [tilespmem:s23+$0x9710]  }
0xd5: {  	[tilespmem:s23+$0xEE80] =	vst v3;
	v3 =	vld [tilespmem:s23+$0xA390]  }
0xd6: {  	[tilespmem:s23+$0xFB00] =	vst v4;
	v4 =	vld [tilespmem:s23+$0xB010]  }
0xd7: {  	[tilespmem:s23+$0x10780] =	vst v5;
	v5 =	vadd.f32 v8, v7;
	v8 =	vld [tilespmem:s23+$0x8AA0]  }
0xd8: {  	v9 =	vld [tilespmem:s23+$0x9720]  }
0xd9: {  	v10 =	vld [tilespmem:s23+$0xA3A0];
	[tilespmem:s23+$0x11400] =	vst v6;
	v1 =	vadd.f32 v1, v7  }
0xda: {  	v6 =	vld [tilespmem:s23+$0xB020];
	[tilespmem:s23+$0xEE90] =	vst v5;
	v3 =	vadd.f32 v3, v7  }
0xdb: {  	v5 =	vld [tilespmem:s23+$0x8AB0];
	[tilespmem:s23+$0xFB10] =	vst v1;
	v1 =	vadd.f32 v4, v7  }
0xdc: {  	v8 =	vadd.f32 v8, v2;
	[tilespmem:s23+$0x10790] =	vst v3;
	v3 =	vld [tilespmem:s23+$0x9730]  }
0xdd: {  	s24 =	simm.s32 $0x40;
	v4 =	vld [tilespmem:s23+$0xA3B0];
	v7 =	vadd.f32 v9, v2;
	[tilespmem:s23+$0x11410] =	vst v1  }
0xde: {  	s25 =	simm.s32 $0x200;
	v1 =	vld [tilespmem:s24+$0x1A30];
	[tilespmem:s23+$0xEEA0] =	vst v8;
	v8 =	vadd.f32 v10, v2  }
.LBB2_10:
0xdf: {  	p1 =	sne.s32 s25, $0x3100;
	v9 =	vld [tilespmem:s24+$0xB030];
	[tilespmem:s23+$0xFB20] =	vst v7;
	v2 =	vadd.f32 v6, v2  }
0xe0: {  	v6 =	vld [tilespmem:s24+$0x1A00];
	[tilespmem:s23+$0x107A0] =	vst v8;
	v5 =	vadd.f32 v5, v0  }
0xe1: {  	v7 =	vld [tilespmem:s24+$0x8A80];
	[tilespmem:s23+$0x11420] =	vst v2;
	v2 =	vadd.f32 v3, v0  }
0xe2: {  	v3 =	vld [tilespmem:s24+$0x9700];
	[tilespmem:s23+$0xEEB0] =	vst v5;
	v4 =	vadd.f32 v4, v0  }
0xe3: {  	v5 =	vld [tilespmem:s24+$0xA380];
	[tilespmem:s23+$0xFB30] =	vst v2;
	v0 =	vmov v1  }
0xe4: {  	v1 =	vld [tilespmem:s24+$0xB000];
	v2 =	vadd.f32 v9, v0;
	[tilespmem:s23+$0x107B0] =	vst v4;
	s23 =	smov.u32 s24  }
0xe5: {  	v4 =	vld [tilespmem:s23+$0x1A10]  }
0xe6: {  	v7 =	vadd.f32 v7, v6;
	v8 =	vld [tilespmem:s23+$0x8A90];
	[tilespmem:s23+$0x11430] =	vst v2  }
0xe7: {  	v2 =	vadd.f32 v3, v6;
	v3 =	vld [tilespmem:s23+$0x9710]  }
0xe8: {  	[tilespmem:s23+$0xEE80] =	vst v7;
	v5 =	vadd.f32 v5, v6;
	v7 =	vld [tilespmem:s23+$0xA390]  }
0xe9: {  	[tilespmem:s23+$0xFB00] =	vst v2;
	v1 =	vadd.f32 v1, v6;
	v6 =	vld [tilespmem:s23+$0xB010]  }
0xea: {  	[tilespmem:s23+$0x10780] =	vst v5;
	v2 =	vld [tilespmem:s23+$0x1A20]  }
0xeb: {  	[tilespmem:s23+$0x11400] =	vst v1;
	v1 =	vadd.f32 v8, v4;
	v8 =	vld [tilespmem:s23+$0x8AA0]  }
0xec: {  	v3 =	vadd.f32 v3, v4;
	v9 =	vld [tilespmem:s23+$0x9720]  }
0xed: {  	[tilespmem:s23+$0xEE90] =	vst v1;
	v1 =	vadd.f32 v7, v4;
	v10 =	vld [tilespmem:s23+$0xA3A0]  }
.Ltmp4:
0xee: {  	[tilespmem:s23+$0xFB10] =	vst v3;
	v3 =	vadd.f32 v6, v4;
	v6 =	vld [tilespmem:s23+$0xB020];
	(pc) =	sbr.rel @p1 .LBB2_10-.Ltmp4, $4  }
0xef: {  	[tilespmem:s23+$0x10790] =	vst v1;
	v5 =	vld [tilespmem:s23+$0x8AB0]  }
0xf0: {  	[tilespmem:s23+$0x11410] =	vst v3;
	v8 =	vadd.f32 v8, v2;
	v3 =	vld [tilespmem:s23+$0x9730]  }
0xf1: {  	s24 =	sshra.s32 s25, $0x2;
	v7 =	vadd.f32 v9, v2;
	v4 =	vld [tilespmem:s23+$0xA3B0]  }
0xf2: {  	s25 =	sadd.s32 $0x100, s25;
	v1 =	vld [tilespmem:s24+$0x1A30];
	[tilespmem:s23+$0xEEA0] =	vst v8;
	v8 =	vadd.f32 v10, v2  }
0xf3: {  	v9 =	vld [tilespmem:s24+$0xB030];
	[tilespmem:s23+$0xFB20] =	vst v7;
	v2 =	vadd.f32 v6, v2  }
0xf4: {  	v7 =	vld [tilespmem:s24+$0x1A00];
	[tilespmem:s23+$0x107A0] =	vst v8;
	v5 =	vadd.f32 v5, v0  }
0xf5: {  	v6 =	vld [tilespmem:s24+$0x8A80];
	[tilespmem:s23+$0x11420] =	vst v2;
	v3 =	vadd.f32 v3, v0  }
0xf6: {  	v2 =	vld [tilespmem:s24+$0x9700];
	[tilespmem:s23+$0xEEB0] =	vst v5;
	v0 =	vadd.f32 v4, v0  }
0xf7: {  	v5 =	vld [tilespmem:s24+$0xA380];
	[tilespmem:s23+$0xFB30] =	vst v3  }
0xf8: {  	v3 =	vld [tilespmem:s24+$0xB000];
	[tilespmem:s23+$0x107B0] =	vst v0  }
0xf9: {  	v0 =	vadd.f32 v9, v1;
	v4 =	vld [tilespmem:s24+$0x1A10]  }
0xfa: {  	v8 =	vld [tilespmem:s24+$0x8A90];
	v6 =	vadd.f32 v6, v7  }
0xfb: {  	[tilespmem:s24+$0x11430] =	vst v0;
	v0 =	vld [tilespmem:s24+$0x9710];
	v2 =	vadd.f32 v2, v7  }
0xfc: {  	[tilespmem:s24+$0xEE80] =	vst v6;
	v6 =	vld [tilespmem:s24+$0xA390];
	v5 =	vadd.f32 v5, v7  }
0xfd: {  	[tilespmem:s24+$0xFB00] =	vst v2;
	v2 =	vld [tilespmem:s24+$0xB010];
	v3 =	vadd.f32 v3, v7  }
0xfe: {  	v7 =	vld [tilespmem:s24+$0x8AA0];
	[tilespmem:s24+$0x10780] =	vst v5  }
0xff: {  	v5 =	vld [tilespmem:s24+$0x1A20];
	[tilespmem:s24+$0x11400] =	vst v3;
	v3 =	vadd.f32 v8, v4  }
0x100: {  	v8 =	vld [tilespmem:s24+$0x9720];
	v0 =	vadd.f32 v0, v4  }
0x101: {  	[tilespmem:s24+$0xEE90] =	vst v3;
	v3 =	vld [tilespmem:s24+$0xA3A0];
	v6 =	vadd.f32 v6, v4  }
0x102: {  	[tilespmem:s24+$0xFB10] =	vst v0;
	v0 =	vld [tilespmem:s24+$0xB020];
	v2 =	vadd.f32 v2, v4  }
0x103: {  	v4 =	vld [tilespmem:s24+$0x8AB0];
	[tilespmem:s24+$0x10790] =	vst v6  }
0x104: {  	v6 =	vld [tilespmem:s24+$0x9730];
	[tilespmem:s24+$0x11410] =	vst v2;
	v2 =	vadd.f32 v7, v5  }
0x105: {  	v7 =	vadd.f32 v8, v5;
	v8 =	vld [tilespmem:s24+$0xA3B0]  }
0x106: {  	[tilespmem:s24+$0xEEA0] =	vst v2;
	v2 =	vadd.f32 v3, v5  }
0x107: {  	[tilespmem:s24+$0xFB20] =	vst v7;
	v0 =	vadd.f32 v0, v5  }
0x108: {  	[tilespmem:s24+$0x107A0] =	vst v2;
	v2 =	vadd.f32 v4, v1  }
0x109: {  	[tilespmem:s24+$0x11420] =	vst v0;
	v0 =	vadd.f32 v6, v1  }
0x10a: {  	v1 =	vadd.f32 v8, v1;
	[tilespmem:s24+$0xEEB0] =	vst v2  }
0x10b: {  	[tilespmem:s24+$0xFB30] =	vst v0  }
0x10c: {  	s25 =	simm.s32 @!p0 $0x8A80;
	s23 =	sadd.s32 @!p0 $0x4E0, s21;
	[tilespmem:s24+$0x107B0] =	vst v1;
	s24 =	simm.s32 @!p0 $0x64  }
0x10d: {  	[tilespmem:s25], [sflag:$0x3] =	stream.indirect.gather @!p0 [hbm4b:s6+s24], $0x40, s23, s24, $0xb8;
	[tilespmem:$0x15280] =	vst v63  }
0x10e: {  	s23 =	sadd.s32 @!p0 $0x548, s21;
	s25 =	simm.s32 @!p0 $0xA380  }
0x10f: {  	[tilespmem:s25], [sflag:$0x3] =	stream.indirect.gather @!p0 [hbm4b:s6+s24], $0x40, s23, s24, $0xb8;
	[tilespmem:$0x15280] =	vst v63  }
0x110: {  	s24 =	sadd.s32 s22, s9  }
0x111: {  	_ =	swait.ge [sflag:s16], $0x3200;
	s23 =	sshll.u32 s24, $0x3  }
0x112: {  	[sflag:s16] =	ssyncset.done $0x0;
	s23 =	sand.u32 $0x1FFFFF80, s23  }
0x113: {  	s25 =	simm.s32 $0x0;
	[sflag:s16] =	ssyncadd.s32 $0xFFFFCE00;
	s23 =	sadd.s32 s2, s23  }
0x114: {  	[hbm4b:s23+s25] =	stream.linear.scatter [tilespmem:s1], [sflag:$0x5], $0x3200, $0x38;
	[tilespmem:$0x15280] =	vst v63  }
0x115: {  	_ =	swait.ge [sflag:s17], $0x3200  }
0x116: {  	[sflag:s17] =	ssyncset.done $0x0  }
0x117: {  	s23 =	simm.s32 $0x0;
	[sflag:s17] =	ssyncadd.s32 $0xFFFFCE00  }
0x118: {  	v0 =	vld [tilespmem:s23+$0x1A30]  }
0x119: {  	v1 =	vld [tilespmem:s23+$0xE230]  }
0x11a: {  	v2 =	vld [tilespmem:s23+$0x1A00]  }
0x11b: {  	v3 =	vld [tilespmem:s23+$0xBC80]  }
0x11c: {  	v4 =	vld [tilespmem:s23+$0xC900]  }
0x11d: {  	v5 =	vld [tilespmem:s23+$0xD580]  }
0x11e: {  	v6 =	vld [tilespmem:s23+$0xE200];
	_ =	sdelay $0x2  }
0x11f: {  	v7 =	vld [tilespmem:s23+$0x1A10];
	v1 =	vadd.f32 v1, v0  }
0x120: {  	v8 =	vld [tilespmem:s23+$0xBC90];
	v3 =	vadd.f32 v3, v2;
	v4 =	vadd.f32 v4, v2  }
0x121: {  	v5 =	vadd.f32 v5, v2;
	v6 =	vadd.f32 v6, v2;
	v2 =	vld [tilespmem:s23+$0x1A20]  }
0x122: {  	[tilespmem:s23+$0x14630] =	vst v1;
	v1 =	vld [tilespmem:s23+$0xC910]  }
0x123: {  	[tilespmem:s23+$0x12080] =	vst v3;
	v3 =	vld [tilespmem:s23+$0xD590]  }
0x124: {  	[tilespmem:s23+$0x12D00] =	vst v4;
	v4 =	vld [tilespmem:s23+$0xE210]  }
0x125: {  	[tilespmem:s23+$0x13980] =	vst v5;
	v5 =	vadd.f32 v8, v7;
	v8 =	vld [tilespmem:s23+$0xBCA0]  }
0x126: {  	v9 =	vld [tilespmem:s23+$0xC920]  }
0x127: {  	v10 =	vld [tilespmem:s23+$0xD5A0];
	[tilespmem:s23+$0x14600] =	vst v6;
	v1 =	vadd.f32 v1, v7  }
0x128: {  	v6 =	vld [tilespmem:s23+$0xE220];
	[tilespmem:s23+$0x12090] =	vst v5;
	v3 =	vadd.f32 v3, v7  }
0x129: {  	v5 =	vld [tilespmem:s23+$0xBCB0];
	[tilespmem:s23+$0x12D10] =	vst v1;
	v1 =	vadd.f32 v4, v7  }
0x12a: {  	v8 =	vadd.f32 v8, v2;
	[tilespmem:s23+$0x13990] =	vst v3;
	v3 =	vld [tilespmem:s23+$0xC930]  }
0x12b: {  	s24 =	simm.s32 $0x40;
	v4 =	vld [tilespmem:s23+$0xD5B0];
	v7 =	vadd.f32 v9, v2;
	[tilespmem:s23+$0x14610] =	vst v1  }
0x12c: {  	s25 =	simm.s32 $0x200;
	v1 =	vld [tilespmem:s24+$0x1A30];
	[tilespmem:s23+$0x120A0] =	vst v8;
	v8 =	vadd.f32 v10, v2  }
.LBB2_12:
0x12d: {  	p1 =	sne.s32 s25, $0x3100;
	v9 =	vld [tilespmem:s24+$0xE230];
	[tilespmem:s23+$0x12D20] =	vst v7;
	v2 =	vadd.f32 v6, v2  }
0x12e: {  	v6 =	vld [tilespmem:s24+$0x1A00];
	[tilespmem:s23+$0x139A0] =	vst v8;
	v5 =	vadd.f32 v5, v0  }
0x12f: {  	v7 =	vld [tilespmem:s24+$0xBC80];
	[tilespmem:s23+$0x14620] =	vst v2;
	v2 =	vadd.f32 v3, v0  }
0x130: {  	v3 =	vld [tilespmem:s24+$0xC900];
	[tilespmem:s23+$0x120B0] =	vst v5;
	v4 =	vadd.f32 v4, v0  }
0x131: {  	v5 =	vld [tilespmem:s24+$0xD580];
	[tilespmem:s23+$0x12D30] =	vst v2;
	v0 =	vmov v1  }
0x132: {  	v1 =	vld [tilespmem:s24+$0xE200];
	v2 =	vadd.f32 v9, v0;
	[tilespmem:s23+$0x139B0] =	vst v4;
	s23 =	smov.u32 s24  }
0x133: {  	v4 =	vld [tilespmem:s23+$0x1A10]  }
0x134: {  	v7 =	vadd.f32 v7, v6;
	v8 =	vld [tilespmem:s23+$0xBC90];
	[tilespmem:s23+$0x14630] =	vst v2  }
0x135: {  	v2 =	vadd.f32 v3, v6;
	v3 =	vld [tilespmem:s23+$0xC910]  }
0x136: {  	[tilespmem:s23+$0x12080] =	vst v7;
	v5 =	vadd.f32 v5, v6;
	v7 =	vld [tilespmem:s23+$0xD590]  }
0x137: {  	[tilespmem:s23+$0x12D00] =	vst v2;
	v1 =	vadd.f32 v1, v6;
	v6 =	vld [tilespmem:s23+$0xE210]  }
0x138: {  	[tilespmem:s23+$0x13980] =	vst v5;
	v2 =	vld [tilespmem:s23+$0x1A20]  }
0x139: {  	[tilespmem:s23+$0x14600] =	vst v1;
	v1 =	vadd.f32 v8, v4;
	v8 =	vld [tilespmem:s23+$0xBCA0]  }
0x13a: {  	v3 =	vadd.f32 v3, v4;
	v9 =	vld [tilespmem:s23+$0xC920]  }
0x13b: {  	[tilespmem:s23+$0x12090] =	vst v1;
	v1 =	vadd.f32 v7, v4;
	v10 =	vld [tilespmem:s23+$0xD5A0]  }
.Ltmp5:
0x13c: {  	[tilespmem:s23+$0x12D10] =	vst v3;
	v3 =	vadd.f32 v6, v4;
	v6 =	vld [tilespmem:s23+$0xE220];
	(pc) =	sbr.rel @p1 .LBB2_12-.Ltmp5, $4  }
0x13d: {  	[tilespmem:s23+$0x13990] =	vst v1;
	v5 =	vld [tilespmem:s23+$0xBCB0]  }
0x13e: {  	[tilespmem:s23+$0x14610] =	vst v3;
	v8 =	vadd.f32 v8, v2;
	v3 =	vld [tilespmem:s23+$0xC930]  }
0x13f: {  	s24 =	sshra.s32 s25, $0x2;
	v7 =	vadd.f32 v9, v2;
	v4 =	vld [tilespmem:s23+$0xD5B0]  }
0x140: {  	s25 =	sadd.s32 $0x100, s25;
	v1 =	vld [tilespmem:s24+$0x1A30];
	[tilespmem:s23+$0x120A0] =	vst v8;
	v8 =	vadd.f32 v10, v2  }
0x141: {  	v9 =	vld [tilespmem:s24+$0xE230];
	[tilespmem:s23+$0x12D20] =	vst v7;
	v2 =	vadd.f32 v6, v2  }
0x142: {  	v7 =	vld [tilespmem:s24+$0x1A00];
	[tilespmem:s23+$0x139A0] =	vst v8;
	v5 =	vadd.f32 v5, v0  }
0x143: {  	v42 =	vld [tilespmem:s24+$0xBC80];
	[tilespmem:s23+$0x14620] =	vst v2;
	v3 =	vadd.f32 v3, v0  }
0x144: {  	v2 =	vld [tilespmem:s24+$0xC900];
	[tilespmem:s23+$0x120B0] =	vst v5;
	v43 =	vadd.f32 v4, v0  }
0x145: {  	v5 =	vld [tilespmem:s24+$0xD580];
	[tilespmem:s23+$0x12D30] =	vst v3  }
0x146: {  	v3 =	vld [tilespmem:s24+$0xE200];
	[tilespmem:s23+$0x139B0] =	vst v43  }
0x147: {  	v45 =	vld [tilespmem:s24+$0x1A10]  }
0x148: {  	v8 =	vld [tilespmem:s24+$0xBC90]  }
0x149: {  	v44 =	vadd.f32 v9, v1;
	v46 =	vld [tilespmem:s24+$0xC910]  }
0x14a: {  	v47 =	vld [tilespmem:s24+$0xD590];
	v6 =	vadd.f32 v42, v7  }
0x14b: {  	v48 =	vld [tilespmem:s24+$0xE210];
	[tilespmem:s24+$0x14630] =	vst v44;
	v2 =	vadd.f32 v2, v7  }
0x14c: {  	v49 =	vld [tilespmem:s24+$0x1A20];
	[tilespmem:s24+$0x12080] =	vst v6;
	v5 =	vadd.f32 v5, v7  }
0x14d: {  	v51 =	vld [tilespmem:s24+$0xBCA0];
	[tilespmem:s24+$0x12D00] =	vst v2;
	v3 =	vadd.f32 v3, v7  }
0x14e: {  	v52 =	vld [tilespmem:s24+$0xC920];
	[tilespmem:s24+$0x13980] =	vst v5;
	v50 =	vadd.f32 v8, v45  }
0x14f: {  	v53 =	vld [tilespmem:s24+$0xD5A0];
	v0 =	vadd.f32 v46, v45;
	[tilespmem:s24+$0x14600] =	vst v3  }
0x150: {  	v55 =	vld [tilespmem:s24+$0xBCB0];
	v6 =	vadd.f32 v47, v45;
	[tilespmem:s24+$0x12090] =	vst v50  }
0x151: {  	v57 =	vld [tilespmem:s24+$0xC930];
	v2 =	vadd.f32 v48, v45;
	[tilespmem:s24+$0x12D10] =	vst v0  }
0x152: {  	v59 =	vld [tilespmem:s24+$0xD5B0];
	v56 =	vadd.f32 v51, v49;
	[tilespmem:s24+$0x13990] =	vst v6  }
0x153: {  	v54 =	vld [tilespmem:s24+$0xE220];
	v58 =	vadd.f32 v52, v49;
	[tilespmem:s24+$0x14610] =	vst v2  }
0x154: {  	v60 =	vadd.f32 v53, v49;
	[tilespmem:s24+$0x120A0] =	vst v56  }
0x155: {  	v61 =	vadd.f32 v55, v1;
	[tilespmem:s24+$0x12D20] =	vst v58  }
0x156: {  	v62 =	vadd.f32 v57, v1;
	[tilespmem:s24+$0x139A0] =	vst v60  }
0x157: {  	v63 =	vadd.f32 v59, v1;
	[tilespmem:s24+$0x120B0] =	vst v61  }
0x158: {  	v0 =	vadd.f32 v54, v49;
	[tilespmem:s24+$0x12D30] =	vst v62  }
0x159: {  	[tilespmem:s24+$0x139B0] =	vst v63  }
0x15a: {  	s25 =	simm.s32 @!p0 $0xBC80;
	s23 =	sadd.s32 @!p0 $0x5B0, s21;
	[tilespmem:s24+$0x14620] =	vst v0;
	s24 =	simm.s32 @!p0 $0x64  }
0x15b: {  	[tilespmem:s25], [sflag:$0x4] =	stream.indirect.gather @!p0 [hbm4b:s6+s24], $0x40, s23, s24, $0xb8;
	[tilespmem:$0x15280] =	vst v63  }
0x15c: {  	s20 =	sadd.s32 $0x1, s20;
	s21 =	sadd.s32 @!p0 $0x618, s21;
	s23 =	simm.s32 @!p0 $0xD580  }
0x15d: {  	[tilespmem:s23], [sflag:$0x4] =	stream.indirect.gather @!p0 [hbm4b:s6+s24], $0x40, s21, s24, $0xb8;
	[tilespmem:$0x15280] =	vst v63  }
0x15e: {  	p0 =	sne.s32 s20, $0x8  }
.Ltmp6:
0x15f: {  	s25 =	sadd.s32 s22, s10;
	(pc) =	sbr.rel @p0 .LBB2_2-.Ltmp6, $4  }
0x160: {  	s21 =	sshll.u32 s25, $0x3;
	_ =	swait.ge [sflag:s18], $0x3200  }
0x161: {  	s21 =	sand.u32 $0x1FFFFFC0, s21;
	[sflag:s18] =	ssyncset.done $0x0  }
0x162: {  	s21 =	sadd.s32 s2, s21;
	[sflag:s18] =	ssyncadd.s32 $0xFFFFCE00  }
0x163: {  	[hbm4b:s21+s3] =	stream.linear.scatter [tilespmem:s13], [sflag:$0x6], $0x3200, $0x38;
	[tilespmem:$0x15280] =	vst v63  }
0x164: {  	s19 =	sadd.s32 $0x1, s19  }
0x165: {  	_ =	swait.ge [sflag:s16], $0x3200;
	p0 =	sne.s32 s19, s11  }
.Ltmp7:
0x166: {  	[sflag:s16] =	ssyncset.done $0x0;
	(pc) =	sbr.rel @p0 .LBB2_1-.Ltmp7, $4  }
0x167: {  	[sflag:s16] =	ssyncadd.s32 $0xFFFFCE00  }
0x168: {  	_ =	swait.ge [sflag:s18], $0x3200  }
0x169: {  	[sflag:s18] =	ssyncset.done $0x0  }
0x16a: {  	[sflag:s18] =	ssyncadd.s32 $0xFFFFCE00  }
0x16b: {  	_ =	sfence.sel $0x180000  }
0x16c: {  	[bflag:$0x0] =	sbarrier.arrive $0xFFFF  }
0x16d: {  	_ =	strace $0x90000047  }
0x16e: {  	s0 =	stileid.u32;
	[bflag:$0x2] =	sbarrier.arrive $0xFFFF  }
0x16f: {  	p0 =	sne.s32 s0, $0x0;
	s0 =	rddreg [dreg:$0x2]  }
0x170: {  	s0 =	sadd.s32 @!p0 $0x100000, s0  }
0x171: {  	[sflag:s0] =	ssyncadd.tile.s32 @!p0 $0x1;
	_ =	shalt  }
.Lfunc_end2:
_tile_overlayer_lowered:
.L_overlay_start_2:
0x172: {  	(tag) =	ssettag $0x2  }
0x173: {  	s0 =	rddreg [dreg:$0x0];
	s2 =	stileid.u32  }
0x174: {  	s1 =	rddreg [dreg:$0x1];
	p0 =	sne.s32 s2, $0x0  }
0x175: {  	s3 =	rddreg [dreg:$0x2];
	[bflag:$0x3] =	sbarrier.arrive $0xFFFF;
	s2 =	simm.s32 @!p0 $0x1C07  }
0x176: {  	[timem:s3], [sflag:s2] =	dma.local @!p0 [hbm:s0], s1  }
0x177: {  	s0 =	simm.s32 @!p0 $0x7  }
0x178: {  	_ =	swait.ge @!p0 [sflag:s0], s1  }
0x179: {  	s1 =	ssub.s32 @!p0 $0x0, s1;
	[sflag:s0] =	ssyncset.done @!p0 $0x0  }
0x17a: {  	[sflag:s0] =	ssyncadd.s32 @!p0 s1  }
0x17b: {  	[bflag:$0x3] =	sbarrier.arrive $0xFFFF  }
0x17c: {  	_ =	shalt  }

// kernel: sparse-core-data-format-call.cloned.1.call-start
scs
called_computation_lowered:
.L_overlay_start_0:
0x0: {  	s2 =	sld [smem:$0x3FD9]  }
0x1: {  	s3 =	sld [smem:$0x3FFE];
	_ =	sdelay $0x1  }
0x2: {  	s1 =	srdreg.scid  }
0x3: {  	s0 =	sand.u32 $0x1, s1  }
0x4: {  	s18 =	sshll.u32 s0, $0xA;
	s2 =	sadd.s32 s3, s2  }
0x5: {  	s2 =	sadd.s32 s2, s18  }
0x6: {  	[smem:$0x3FC5] =	sst s2  }
0x7: {  	_ = 	snop  }
0x8: {  	s2 =	sld [smem:$0x3FD0];
	(tm) =	ssettm $0x1  }
0x9: {  	s19 =	sld [smem:$0x3FFB];
	_ =	sdelay $0x3  }
0xa: {  	_ =	strace s19  }
0xb: {  	s3 =	sld [smem:$0x3FFC];
	_ =	sdelay $0x3  }
0xc: {  	_ =	strace s3  }
0xd: {  	s3 =	sld [smem:$0x3FFD];
	_ =	sdelay $0x3  }
0xe: {  	_ =	strace s3  }
0xf: {  	_ =	strace $0x8FFFFFFF  }
0x10: {  	s20 =	sld [smem:$0x3FDB];
	_ =	sdelay $0x1  }
0x11: {  	s4 =	simm.s32 $_scs_section_size  }
0x12: {  	s5 =	simm.s32 $_size__tile_overlayer_lowered;
	s6 =	simm.s32 $_tile_overlayer_lowered  }
0x13: {  	s23 =	simm.s32 $0x1BFF;
	s22 =	sshll.u32 s6, $0x1;
	s3 =	sadd.s32 s4, s20  }
0x14: {  	s7 =	simm.s32 $0x0;
	s21 =	sshll.u32 s5, $0x1;
	s5 =	sadd.s32 s22, s3  }
0x15: {  	[timem:s7], [sflag:s23] =	dma.local [hbm:s5], s21  }
0x16: {  	_ =	swait.ge [sflag:s23], s21  }
0x17: {  	s4 =	ssub.s32 $0x0, s21;
	[sflag:s23] =	ssyncset.done $0x0  }
0x18: {  	[sflag:s23] =	ssyncadd.s32 s4;
	_ =	sdelay $0x1  }
0x19: {  	s24 =	simm.s32 $0x1B8B  }
0x1a: {  	_ =	swait.ge [sflag:s24], $0x1  }
0x1b: {  	[sflag:s24] =	ssyncset.done $0x0  }
0x1c: {  	s26 =	simm.s32 $0x1B8E;
	s25 =	sld [smem:$0x3FFE];
	[sflag:s24] =	ssyncadd.s32 $0xFFFFFFFF  }
0x1d: {  	s27 =	simm.s32 $execute0_lowered;
	[smem:$0x3FD2] =	sst s26  }
0x1e: {  	s5 =	sshll.u32 s27, $0x1;
	_ =	strace $0x80000049;
	[dreg:$0x1] =	wrdreg $0xFFFFFFFF  }
0x1f: {  	s28 =	simm.s32 $_size_execute0_lowered;
	s3 =	sadd.s32 s3, s5;
	[dreg:$0x0] =	wrdreg $0x0  }
0x20: {  	s5 =	sshll.u32 s28, $0x1;
	[dreg:$0x2] =	wrdreg s3  }
0x21: {  	[dreg:$0x3] =	wrdreg s5  }
0x22: {  	[dreg:$0x4] =	wrdreg $0xC0  }
0x23: {  	_ =	task [dreg:s7], $0x5FFFF  }
0x24: {  	[dreg:$0x1] =	wrdreg $0xFFFFFFFF  }
0x25: {  	[dreg:$0x0] =	wrdreg $0x60  }
0x26: {  	[dreg:$0x2] =	wrdreg s25  }
0x27: {  	[dreg:$0x3] =	wrdreg s2  }
0x28: {  	[dreg:$0x4] =	wrdreg $0x9  }
0x29: {  	_ =	task.clear_ibuf [dreg:s7], $0x5FFFF;
	_ =	strace $0x90000049  }
0x2a: {  	s29 =	simm.s32 $0x9;
	_ =	strace $0x8000004B  }
0x2b: {  	_ =	swait.ge [sflag:s29], $0x1  }
0x2c: {  	[sflag:s29] =	ssyncadd.s32 $0xFFFFFFFF  }
0x2d: {  	_ =	strace $0x9000004B  }
0x2e: {  	_ =	sfence  }
0x2f: {  	s30 =	sld [smem:$0x0];
	_ =	sdelay $0x2  }
0x30: {  	s31 =	sshll.u32 s1, $0xD;
	s1 =	sshrl.u32 s1, $0x2  }
0x31: {  	s3 =	sand.u32 $0x4000, s31;
	s1 =	sadd.s32 s1, s30  }
0x32: {  	s0 =	sor.u32 s3, s0;
	s1 =	sshll.u32 s1, $0x11  }
0x33: {  	s0 =	sor.u32 s1, s0  }
0x34: {  	s0 =	sadd.s32 $0x8F2B, s0  }
0x35: {  	[sflag:s0] =	ssyncadd.remote.s32 $0x1  }
0x36: {  	_ =	sfence.sel $0xFFFF  }
0x37: {  	[dreg:$0x0] =	wrdreg $0xFFFFFFFF;
	(pc) =	sbr.abs _section_cstart, $3  }
0x38: {  	[dreg:$0x1] =	wrdreg $0xFFFFFFFF  }
0x39: {  	_ =	task.clear_ibuf [dreg:s7], $0x2FFFF;
	_ =	strace $0x9FFFFFFF  }
0x3a: {  	(tm) =	ssettm $0x7FFFFFFF  }
0x3b: {  	_ =	shalt  }
tec
execute0_lowered:
.L_overlay_start_1:
0x0: {  	(tag) =	ssettag $0x1  }
0x1: {  	s0 =	srdreg.scid  }
0x2: {  	s1 =	sshll.u32 s0, $0x4  }
0x3: {  	s4 =	rddreg [dreg:$0x0];
	s0 =	stileid.u32;
	s1 =	sand.u32 $0x10, s1  }
0x4: {  	s2 =	rddreg [dreg:$0x1];
	s7 =	simm.s32 $0x1;
	s1 =	sor.u32 s0, s1  }
0x5: {  	s8 =	simm.s32 $0x2;
	s11 =	simm.s32 $0x0;
	s3 =	sshll.u32 s1, $0x7  }
0x6: {  	s10 =	simm.s32 $0x0;
	s4 =	sadd.s32 $0xC00, s4;
	s6 =	ssub.s32 $0x32000, s3  }
.Ltmp0:
0x7: {  	s1 =	rddreg [dreg:$0x2];
	s5 =	sand.u32 $0xF80, s6;
	(pc) =	sbr.rel .LBB1_1-.Ltmp0, $4  }
0x8: {  	_ =	strace $0x8000004A;
	s9 =	smov.u32 s3;
	p0 =	sne.s32 s5, $0x0  }
0x9: {  	s6 =	sshrl.u32 s6, $0xC;
	s5 =	simm.s32 $0x1;
	s7 =	simm.s32 @!p0 $0x0  }
0xa: {  	[sflag:s5] =	ssyncpa.u1 $0x0;
	p0 =	por $0x0, $0x0;
	s6 =	sadd.s32 s7, s6  }
0xb: {  	[sflag:s8] =	ssyncpa.u1 $0x0;
	s8 =	simm.s32 $0x190000;
	s7 =	sadd.s32 $0x1, s6  }
.LBB1_4:
0xc: {  	s14 =	sshll.u32 s11, $0x3  }
0xd: {  	s30 =	sand.u32 $0x7F, s11;
	s15 =	sand.u32 $0xFFFFFC00, s14  }
0xe: {  	s11 =	sor.u32 s30, s15  }
0xf: {  	s15 =	smulhi.u32 $0x51EB851F, s11  }
0x10: {  	s14 =	smulhi.u32 $0x51EB851F, s14  }
0x11: {  	s15 =	sshrl.u32 s15, $0x10  }
0x12: {  	s14 =	sshrl.u32 s14, $0x10;
	s15 =	smul.u32 $0x32000, s15  }
0x13: {  	s14 =	sand.u32 $0x3F, s14  }
0x14: {  	s14 =	smul.u32 $0x6400, s14;
	s11 =	ssub.s32 s11, s15  }
0x15: {  	[tilespmem:s13+$0x810 ss:$0x81] =	vst.msk $0xffff, v2;
	s15 =	sand.u32 $0x7, s11  }
0x16: {  	[tilespmem:s13+$0x1020 ss:$0x81] =	vst.msk $0xffff, v0;
	s14 =	sadd.s32 s2, s14;
	s11 =	sshrl.u32 s11, $0x3;
	s15 =	sshll.u32 s15, $0x12  }
0x17: {  	[tilespmem:s13+$0x0 ss:$0x81] =	vst.msk $0xffff, v1;
	s11 =	sadd.s32 s11, s14;
	s31 =	sor.u32 $0x400, s15  }
0x18: {  	[hbm4b:s11+s31] =	stream.strided.scatter [tilespmem:s12], [sflag:$0x2], $0x2000, s8, s31, $0x20;
	[tilespmem:$0x8080] =	vst v63  }
.LBB1_5:
0x19: {  	s13 =	sadd.s32 $0x1000, s9  }
0x1a: {  	p2 =	sgt.s32 s13, $0x31FFF  }
0x1b: {  	s13 =	smov.u32 @p2 s3;
	p2 =	sne.s32 s10, s7  }
.Ltmp1:
0x1c: {  	p1 =	slt.u32 s10, $0x2;
	(pc) =	sbr.rel @!p2 .LBB1_6-.Ltmp1, $4  }
0x1d: {  	s12 =	simm.s32 @!p1 $0x2  }
0x1e: {  	s14 =	sadd.s32 $0x1, s10;
	_ =	swait.ge @!p1 [sflag:s12], $0x2000  }
0x1f: {  	s11 =	smov.u32 s9;
	p0 =	por !p0, !p0;
	[sflag:s12] =	ssyncset.done @!p1 $0x0  }
0x20: {  	s10 =	smov.u32 s14;
	s9 =	smov.u32 s13;
	[sflag:s12] =	ssyncadd.s32 @!p1 $0xFFFFE000  }
.LBB1_1:
0x21: {  	p1 =	sge.u32 s10, s6  }
0x22: {  	s12 =	sand.u32 @!p1 $0x1FFFFFF, s9  }
0x23: {  	s13 =	smulhi.u32 @!p1 $0x147AE15, s12;
	_ =	sdelay $0x1  }
0x24: {  	s13 =	sshrl.u32 @!p1 s13, $0xA  }
0x25: {  	s13 =	smul.u32 @!p1 $0x32000, s13;
	_ =	sdelay $0x1  }
0x26: {  	s31 =	sadd.s32 $0xFFFFFFFF, s10;
	s14 =	sxor.u32 @!p1 $0xFFFFFFFF, s10;
	s12 =	ssub.s32 @!p1 s12, s13  }
0x27: {  	s15 =	simm.s32 @!p1 $0x80;
	s14 =	sshll.u32 @!p1 s14, $0xD;
	s12 =	sshll.u32 @!p1 s12, $0x4  }
0x28: {  	s13 =	sand.u32 @!p1 $0x2000, s14;
	s14 =	simm.s32 @!p1 $0x40;
	s12 =	sadd.s32 @!p1 s4, s12  }
0x29: {  	[tilespmem:s13], [sflag:$0x1] =	stream.strided.gather @!p1 [hbm4b:s12+s14], $0x2000, s15, s14, $0x38;
	[tilespmem:$0x8080] =	vst v63  }
0x2a: {  	p1 =	sge.u32 s31, s6  }
.Ltmp2:
0x2b: {  	_ = 	snop;
	(pc) =	sbr.rel @p1 .LBB1_5-.Ltmp2, $1  }
0x2c: {  	_ =	sdelay $0x3  }
0x2d: {  	s12 =	simm.s32 $0x1  }
0x2e: {  	_ =	swait.ge [sflag:s5], $0x2000;
	s12 =	simm.s32 @!p0 $0x0  }
0x2f: {  	[sflag:s5] =	ssyncset.done $0x0;
	s13 =	sshll.u32 s12, $0xD  }
0x30: {  	[sflag:s5] =	ssyncadd.s32 $0xFFFFE000;
	s16 =	sor.u32 $0x20, s13  }
0x31: {  	s12 =	smul.u32 $0x8100, s12;
	v3 =	vld [tilespmem:s16+$0x10]  }
0x32: {  	s30 =	sand.u32 $0x1, s10;
	v2 =	vld [tilespmem:s16+$0xFFFFFFF0]  }
0x33: {  	s13 =	smul.u32 $0x8100, s30;
	s12 =	sshrl.u32 s12, $0x2;
	v0 =	vld [tilespmem:s16+$0x0]  }
0x34: {  	v1 =	vld [tilespmem:s16+$0xFFFFFFE0];
	s14 =	sor.u32 $0x4000, s12  }
0x35: {  	s31 =	sshrl.u32 s13, $0x2;
	s13 =	sadd.s32 $0x0, s14  }
0x36: {  	s15 =	simm.s32 $0x4;
	s16 =	sadd.s32 $0x40, s16;
	s12 =	sor.u32 $0x4000, s31;
	[tilespmem:s13+$0x1830 ss:$0x81] =	vst.msk $0xffff, v3  }
.LBB1_3:
0x37: {  	v3 =	vld [tilespmem:s16+$0x10];
	p1 =	sne.s32 s15, $0x1FC;
	[tilespmem:s13+$0x810 ss:$0x81] =	vst.msk $0xffff, v2;
	s17 =	smov.u32 s15;
	s15 =	sadd.s32 $0x4, s15  }
.Ltmp3:
0x38: {  	v2 =	vld [tilespmem:s16+$0xFFFFFFF0];
	[tilespmem:s13+$0x1020 ss:$0x81] =	vst.msk $0xffff, v0;
	(pc) =	sbr.rel @p1 .LBB1_3-.Ltmp3, $4  }
0x39: {  	v0 =	vld [tilespmem:s16+$0x0];
	[tilespmem:s13+$0x0 ss:$0x81] =	vst.msk $0xffff, v1  }
0x3a: {  	s13 =	sshra.s32 s17, $0x2;
	v1 =	vld [tilespmem:s16+$0xFFFFFFE0]  }
0x3b: {  	s13 =	sadd.s32 s13, s14  }
0x3c: {  	s16 =	sadd.s32 $0x40, s16;
	[tilespmem:s13+$0x1830 ss:$0x81] =	vst.msk $0xffff, v3  }
.Ltmp4:
0x3d: {  	_ = 	snop;
	(pc) =	sbr.rel .LBB1_4-.Ltmp4, $1  }
0x3e: {  	_ =	sdelay $0x3  }
.LBB1_6:
0x3f: {  	_ =	sfence.sel $0x180000  }
0x40: {  	s2 =	simm.s32 $0x1;
	[bflag:$0x0] =	sbarrier.arrive $0xFFFF  }
0x41: {  	s31 =	simm.s32 $0x2;
	[sflag:s2] =	ssyncpa.u1 $0x1  }
0x42: {  	[sflag:s31] =	ssyncpa.u1 $0x1  }
0x43: {  	p0 =	sne.s32 s0, $0x0;
	_ =	strace $0x9000004A  }
0x44: {  	s0 =	sadd.s32 @!p0 $0x100000, s1;
	[bflag:$0x2] =	sbarrier.arrive $0xFFFF  }
0x45: {  	[sflag:s0] =	ssyncadd.tile.s32 @!p0 $0x1;
	_ =	shalt  }
.Lfunc_end1:
_tile_overlayer_lowered:
.L_overlay_start_2:
0x46: {  	(tag) =	ssettag $0x2  }
0x47: {  	s0 =	rddreg [dreg:$0x0];
	s2 =	stileid.u32  }
0x48: {  	s1 =	rddreg [dreg:$0x1];
	p0 =	sne.s32 s2, $0x0  }
0x49: {  	s3 =	rddreg [dreg:$0x2];
	[bflag:$0x3] =	sbarrier.arrive $0xFFFF;
	s2 =	simm.s32 @!p0 $0x1C01  }
0x4a: {  	[timem:s3], [sflag:s2] =	dma.local @!p0 [hbm:s0], s1  }
0x4b: {  	s0 =	simm.s32 @!p0 $0x1  }
0x4c: {  	_ =	swait.ge @!p0 [sflag:s0], s1  }
0x4d: {  	s1 =	ssub.s32 @!p0 $0x0, s1;
	[sflag:s0] =	ssyncset.done @!p0 $0x0  }
0x4e: {  	[sflag:s0] =	ssyncadd.s32 @!p0 s1  }
0x4f: {  	[bflag:$0x3] =	sbarrier.arrive $0xFFFF  }
0x50: {  	_ =	shalt  }

</sc_bundles>
